<compile_context>
chip_gen: v7x
topology: tpu7x:2x2x1
jax: 0.10.2.dev20260603
libtpu: 0.0.44.dev20260713+nightly
codegen_flags: <defaults>
</compile_context>

<pallas_src>
import functools

import jax
import jax.numpy as jnp
from jax.experimental import pallas as pl
from jax.experimental.pallas import tpu as pltpu
from jax.experimental.pallas import tpu_sc as plsc

B, T, DIM, K = 8, 1024, 32, 8192
BKA = 2048
BK = 8192
GW = 256


def _norm_body(sel_ref, w0_ref, w1_ref, nt_ref):
    w0 = w0_ref[...]
    w1 = w1_ref[...]
    s0 = w0 * w0
    s1 = w1 * w1
    acc = jnp.zeros(s0.shape, jnp.float32)
    for b in range(B):
        acc = acc + jnp.where(sel_ref[b] == 1, s1, s0)
    norm = jnp.sqrt(acc)
    ones = jnp.ones((1, BKA), jnp.float32)
    zeros = jnp.zeros((6, BKA), jnp.float32)
    for j, w in ((0, w0), (1, w1)):
        n = w / norm
        e2 = jnp.sum(n * n, axis=0, keepdims=True)
        nt_ref[j] = jnp.concatenate([n, ones, e2, zeros], axis=0)


def _argmin_body(sel_ref, x_ref, nt_ref, g_ref, xt_ref, x2_ref, bv_ref,
                 bi_ref):
    b = pl.program_id(0)
    kt = pl.program_id(1)
    nkt = pl.num_programs(1)

    @pl.when(kt == 0)
    def _():
        bv_ref[...] = jnp.full((T, 128), jnp.inf, jnp.float32)
        bi_ref[...] = jnp.zeros((T, 128), jnp.int32)
        xb = x_ref[0]
        xt_ref[...] = xb * (-2.0)
        x2 = jnp.sum(xb * xb, axis=1, keepdims=True)
        x2_ref[...] = jnp.broadcast_to(x2, (T, 128))

    xs = xt_ref[...]
    x2b = x2_ref[...]
    bv = bv_ref[...]
    bi = bi_ref[...]
    for c in range(BK // 128):
        ntc = nt_ref[0, 0:32, c * 128:(c + 1) * 128]
        s = jax.lax.dot_general(
            xs, ntc, (((1,), (0,)), ((), ())),
            preferred_element_type=jnp.float32)
        e2c = nt_ref[0, 33:34, c * 128:(c + 1) * 128]
        sc = (x2b + s) + e2c
        pred = sc < bv
        bv = jnp.where(pred, sc, bv)
        bi = jnp.where(pred, kt * (BK // 128) + c, bi)
    bv_ref[...] = bv
    bi_ref[...] = bi

    @pl.when(kt == nkt - 1)
    def _():
        lane = jax.lax.broadcasted_iota(jnp.int32, (T, 128), 1)
        kg = bi * 128 + lane
        m = jnp.min(bv, axis=1, keepdims=True)
        cand = jnp.where(bv == m, kg, jnp.int32(2**31 - 1))
        row = jnp.min(cand, axis=1)
        g_ref[0, :, 0] = row + sel_ref[b] * K


def _diff_body(q_ref, x_ref, out_ref, d_ref):
    q = q_ref[:, :DIM]
    out_ref[...] = q
    d = q - x_ref[...]
    d_ref[0, 0] = jnp.sum(d * d) / (B * T * DIM)


def _sc_gather(tables2, gidx):
    mesh = plsc.VectorSubcoreMesh(core_axis_name="core",
                                  subcore_axis_name="subcore")

    @functools.partial(
        pl.kernel,
        out_type=jax.ShapeDtypeStruct((B * T, 128), jnp.float32),
        mesh=mesh)
    def gather_kernel(t_hbm, i_hbm, o_hbm):
        def body(i_vmem, o_vmem):
            pltpu.sync_copy(t_hbm.at[i_vmem.at[0]], o_vmem)

        pltpu.emit_pipeline(
            body,
            grid=(B * T // GW,),
            in_specs=[pl.BlockSpec((1, GW), index_map=lambda i: (0, i))],
            out_specs=[pl.BlockSpec((GW, 128), index_map=lambda i: (i, 0))],
            core_axis_name=("core", "subcore"),
            dimension_semantics=(pltpu.PARALLEL,),
        )(i_hbm, o_hbm)

    return gather_kernel(tables2, gidx)


def kernel(input, input_code_select, W0, W1):
    x = input.astype(jnp.float32)
    sel = input_code_select.astype(jnp.int32)
    w0t = W0.T
    w1t = W1.T

    nt = pl.pallas_call(
        _norm_body,
        grid_spec=pltpu.PrefetchScalarGridSpec(
            num_scalar_prefetch=1,
            grid=(K // BKA,),
            in_specs=[
                pl.BlockSpec((32, BKA), lambda i, sel_ref: (0, i)),
                pl.BlockSpec((32, BKA), lambda i, sel_ref: (0, i)),
            ],
            out_specs=pl.BlockSpec((2, 40, BKA),
                                   lambda i, sel_ref: (0, 0, i)),
        ),
        out_shape=jax.ShapeDtypeStruct((2, 40, K), jnp.float32),
    )(sel, w0t, w1t)

    g = pl.pallas_call(
        _argmin_body,
        grid_spec=pltpu.PrefetchScalarGridSpec(
            num_scalar_prefetch=1,
            grid=(B, K // BK),
            in_specs=[
                pl.BlockSpec((1, T, 32), lambda b, kt, sel_ref: (b, 0, 0)),
                pl.BlockSpec((1, 40, BK),
                             lambda b, kt, sel_ref: (sel_ref[b], 0, kt)),
            ],
            out_specs=pl.BlockSpec((1, T, 1),
                                   lambda b, kt, sel_ref: (b, 0, 0)),
            scratch_shapes=[
                pltpu.VMEM((T, 32), jnp.float32),
                pltpu.VMEM((T, 128), jnp.float32),
                pltpu.VMEM((T, 128), jnp.float32),
                pltpu.VMEM((T, 128), jnp.int32),
            ],
        ),
        out_shape=jax.ShapeDtypeStruct((B, T, 1), jnp.int32),
        compiler_params=pltpu.CompilerParams(
            dimension_semantics=("parallel", "arbitrary")),
    )(sel, x, nt)

    tables2 = jnp.pad(jnp.concatenate([W0, W1], axis=0),
                      ((0, 0), (0, 128 - DIM)))
    gidx = g.reshape(1, B * T)
    qp = _sc_gather(tables2, gidx)

    out32, diff = pl.pallas_call(
        _diff_body,
        in_specs=[
            pl.BlockSpec((B * T, 128), lambda: (0, 0)),
            pl.BlockSpec((B * T, DIM), lambda: (0, 0)),
        ],
        out_specs=[
            pl.BlockSpec((B * T, DIM), lambda: (0, 0)),
            pl.BlockSpec(memory_space=pltpu.SMEM),
        ],
        out_shape=[
            jax.ShapeDtypeStruct((B * T, DIM), jnp.float32),
            jax.ShapeDtypeStruct((1, 1), jnp.float32),
        ],
    )(qp, x.reshape(B * T, DIM))

    out = out32.reshape(B, T, DIM)
    return out, diff[0, 0], input_code_select

# --- scband reference (transcript-rebuilt; emitter-appended) ---
"""Pipeline reference for scband-quantize-37512244363882 (READ-ONLY COPY).

The authoritative reference and input builder live on the scoring server;
editing this copy changes nothing except your own understanding.
"""

import jax, jax.numpy as jnp
import numpy as np

B, T, DIM, K = 8, 1024, 32, 8192

def setup_inputs(seed: int = 0) -> dict:
    key = jax.random.key(seed)
    k1, k2, k3, k4 = jax.random.split(key, 4)
    inp = {}
    inp['input'] = jax.random.normal(k1, (B, T, DIM), dtype=jnp.float32)
    # torch code derives int(name[-1]) - 5 from strings like 'code_5'/'code_6'; we use the int indices (0 or 1) directly
    inp['input_code_select'] = jax.random.randint(k2, (B,), 0, 2)
    inp['W0'] = jax.random.normal(k3, (K, DIM), dtype=jnp.float32)
    inp['W1'] = jax.random.normal(k4, (K, DIM), dtype=jnp.float32)
    return inp

def reference(input, input_code_select, W0, W1):
    tables = jnp.stack([W0, W1], axis=0)                      # [2, K, dim]
    sel_tables = jnp.take(tables, input_code_select, axis=0)  # [B, K, dim] (non-detached, used for quantize lookup)
    # embed uses detached weights, transposed -> [B, dim, K]
    embed = jnp.transpose(jax.lax.stop_gradient(sel_tables), (0, 2, 1))
    # torch.norm(embed, dim=0) -> [dim, K], broadcast divide (norm over batch dim, as in the original)
    embed = embed / jnp.linalg.norm(embed, axis=0)
    flatten = jax.lax.stop_gradient(input)                    # [B, T, dim]
    dist = (jnp.sum(flatten ** 2, axis=2, keepdims=True)
            - 2.0 * jnp.einsum('btd,bdk->btk', flatten, embed)
            + jnp.sum(embed ** 2, axis=1, keepdims=True))      # [B, T, K]
    embed_ind = jnp.argmax(-dist, axis=2)                      # [B, T]
    # per-batch embedding lookup from the selected (non-detached) table
    quantize = jnp.take_along_axis(sel_tables, embed_ind[..., None], axis=1)  # [B, T, dim]
    diff = jnp.mean((quantize - input) ** 2)
    quantize_1 = input + jax.lax.stop_gradient(quantize - input)
    out = (quantize + quantize_1) / 2.0
    return out, diff, input_code_select

if __name__ == "__main__":
    import jax
    _d = setup_inputs()
    print(jax.jit(kernel)(*tuple(_d.values())))

</pallas_src>

<mosaic_0001>
#map = affine_map<(d0, d1) -> (0, 0)>
module attributes {stable_mosaic.version = 14 : i64} {
  func.func @gather_kernel(%arg0: i32, %arg1: i32, %arg2: memref<16384x128xf32, #tpu.memory_space<hbm>>, %arg3: memref<1x8192xi32, #tpu.memory_space<hbm>>, %arg4: memref<8192x128xf32, #tpu.memory_space<hbm>>) attributes {dimension_semantics = [#tpu.dimension_semantics<core_parallel>, #tpu.dimension_semantics<subcore_parallel>], iteration_bounds = array<i64: 2, 16>, scalar_prefetch = 0 : i64, scratch_operands = 0 : i64, tpu.core_type = #tpu.core_type<sc_vector_subcore>, window_params = [{transform_indices = #map}, {transform_indices = #map}, {transform_indices = #map}]} {
    %mul3A = arith.constant 1 : i32
    %mul3A_0 = arith.muli %arg1, %mul3A : i32
    %add3A = arith.constant 0 : i32
    %add3A_1 = arith.addi %add3A, %mul3A_0 : i32
    %mul3A_2 = arith.constant 16 : i32
    %mul3A_3 = arith.muli %arg0, %mul3A_2 : i32
    %add3A_4 = arith.addi %add3A_1, %mul3A_3 : i32
    %mul3A_5 = arith.constant 1 : i32
    %mul3A_6 = arith.muli %add3A_4, %mul3A_5 : i32
    "tpu.region"() ({
      %run_scoped3A = memref.alloca() : memref<2x1x256xi32, #tpu.memory_space<vmem>>
      %run_scoped3A_7 = tpu.sem_alloc : memref<2x!tpu.dma_semaphore, #tpu.memory_space<semaphore_mem>>
      %run_scoped3A_8 = memref.alloca() : memref<2x256x128xf32, #tpu.memory_space<vmem>>
      %run_scoped3A_9 = tpu.sem_alloc : memref<2x!tpu.dma_semaphore, #tpu.memory_space<semaphore_mem>>
      %add3A_10 = arith.constant 0 : i32
      %add3A_11 = arith.addi %add3A_10, %mul3A_6 : i32
      %select_n3A = arith.constant true
      %select_n3A_12 = arith.constant 0 : i32
      %select_n3A_13 = arith.constant -1 : i32
      %select_n3A_14 = arith.select %select_n3A, %select_n3A_13, %select_n3A_12 : i32
      %eq3A = arith.constant -1 : i32
      %eq3A_15 = arith.cmpi eq, %select_n3A_14, %eq3A : i32
      %select_n3A_16 = arith.constant 0 : i32
      %select_n3A_17 = arith.select %eq3A_15, %select_n3A_16, %select_n3A_14 : i32
      %add3A_18 = arith.constant 0 : i32
      %add3A_19 = arith.addi %add3A_18, %mul3A_6 : i32
      %select_n3A_20 = arith.constant true
      %select_n3A_21 = arith.constant 0 : i32
      %select_n3A_22 = arith.constant 1 : i32
      %select_n3A_23 = arith.select %select_n3A_20, %select_n3A_22, %select_n3A_21 : i32
      %eq3A_24 = arith.constant 1 : i32
      %eq3A_25 = arith.cmpi eq, %select_n3A_23, %eq3A_24 : i32
      %select_n3A_26 = arith.constant 0 : i32
      %select_n3A_27 = arith.select %eq3A_25, %select_n3A_26, %select_n3A_23 : i32
      %add3A_28 = arith.constant 0 : i32
      %add3A_29 = arith.addi %add3A_28, %mul3A_6 : i32
      %select_n3A_30 = arith.constant true
      %select_n3A_31 = arith.constant 0 : i32
      %select_n3A_32 = arith.constant 1 : i32
      %select_n3A_33 = arith.select %select_n3A_30, %select_n3A_32, %select_n3A_31 : i32
      %eq3A_34 = arith.constant 1 : i32
      %eq3A_35 = arith.cmpi eq, %select_n3A_33, %eq3A_34 : i32
      %select_n3A_36 = arith.constant 0 : i32
      %select_n3A_37 = arith.select %eq3A_35, %select_n3A_36, %select_n3A_33 : i32
      %add3A_38 = arith.constant 0 : i32
      %add3A_39 = arith.addi %add3A_38, %mul3A_6 : i32
      "tpu.trace_start"() <{level = 10 : i32, message = "ep_initialize_0"}> : () -> ()
      %rem3A = arith.constant 0 : i32
      %rem3A_40 = arith.constant 2 : i32
      %rem3A_41 = arith.remui %rem3A, %rem3A_40 : i32
      %mul3A_42 = arith.constant 256 : i32
      %mul3A_43 = arith.muli %mul3A_42, %add3A_11 : i32
      %dma_start3A = arith.constant 0 : i32
      %dma_start3A_44 = arith.constant 0 : i32
      %dma_start3A_45 = tpu.memref_slice %run_scoped3A[%rem3A_41, %dma_start3A, %dma_start3A_44] : memref<2x1x256xi32, #tpu.memory_space<vmem>> -> memref<1x1x256xi32, #tpu.memory_space<vmem>>
      %dma_start3A_46 = tpu.memref_squeeze %dma_start3A_45 : memref<1x1x256xi32, #tpu.memory_space<vmem>> -> memref<1x256xi32, #tpu.memory_space<vmem>>
      %dma_start3A_47 = arith.constant 0 : i32
      %dma_start3A_48 = tpu.memref_slice %arg3[%dma_start3A_47, %mul3A_43] : memref<1x8192xi32, #tpu.memory_space<hbm>> -> memref<1x256xi32, #tpu.memory_space<hbm>>
      %dma_start3A_49 = tpu.memref_slice %run_scoped3A_7[%rem3A_41] : memref<2x!tpu.dma_semaphore, #tpu.memory_space<semaphore_mem>> -> memref<1x!tpu.dma_semaphore, #tpu.memory_space<semaphore_mem>>
      %dma_start3A_50 = tpu.memref_squeeze %dma_start3A_49 : memref<1x!tpu.dma_semaphore, #tpu.memory_space<semaphore_mem>> -> memref<!tpu.dma_semaphore, #tpu.memory_space<semaphore_mem>>
      %dma_start3A_51 = arith.constant 0 : i32
      %dma_start3A_52 = arith.constant 0 : i32
      %dma_start3A_53 = tpu.memref_slice %run_scoped3A[%rem3A_41, %dma_start3A_51, %dma_start3A_52] : memref<2x1x256xi32, #tpu.memory_space<vmem>> -> memref<1x1x256xi32, #tpu.memory_space<vmem>>
      %dma_start3A_54 = tpu.memref_squeeze %dma_start3A_53 : memref<1x1x256xi32, #tpu.memory_space<vmem>> -> memref<1x256xi32, #tpu.memory_space<vmem>>
      %dma_start3A_55 = arith.constant 0 : i32
      %dma_start3A_56 = tpu.memref_slice %arg3[%dma_start3A_55, %mul3A_43] : memref<1x8192xi32, #tpu.memory_space<hbm>> -> memref<1x256xi32, #tpu.memory_space<hbm>>
      tpu.enqueue_dma source(%dma_start3A_56 : memref<1x256xi32, #tpu.memory_space<hbm>>) target(%dma_start3A_54 : memref<1x256xi32, #tpu.memory_space<vmem>>) target_semaphore(%dma_start3A_50 : memref<!tpu.dma_semaphore, #tpu.memory_space<semaphore_mem>>)
      %add3A_57 = arith.constant 0 : i32
      %add3A_58 = arith.constant 1 : i32
      %add3A_59 = arith.addi %add3A_57, %add3A_58 : i32
      %select_n3A_60 = arith.constant true
      %select_n3A_61 = arith.constant 0 : i32
      %select_n3A_62 = arith.select %select_n3A_60, %add3A_59, %select_n3A_61 : i32
      "tpu.trace_stop"() : () -> ()
      %scan3A = arith.constant 0 : i32
      %scan3A_63 = arith.constant 0 : i32
      %scan3A_64 = arith.constant 0 : i32
      %scan3A_65 = arith.constant 0 : i32
      %scan3A_66 = arith.constant 0 : i32
      %eq3A_67 = arith.constant 0 : i32
      %eq3A_68 = arith.cmpi eq, %scan3A_66, %eq3A_67 : i32
      %eq3A_69 = arith.constant 0 : i32
      %eq3A_70 = arith.cmpi eq, %scan3A_66, %eq3A_69 : i32
      %add3A_71 = arith.constant 0 : i32
      %add3A_72 = arith.addi %add3A_71, %mul3A_6 : i32
      %select_n3A_73 = arith.constant true
      %select_n3A_74 = arith.constant 0 : i32
      %select_n3A_75 = arith.constant -1 : i32
      %select_n3A_76 = arith.select %select_n3A_73, %select_n3A_75, %select_n3A_74 : i32
      %eq3A_77 = arith.constant -1 : i32
      %eq3A_78 = arith.cmpi eq, %select_n3A_76, %eq3A_77 : i32
      %select_n3A_79 = arith.constant 0 : i32
      %select_n3A_80 = arith.select %eq3A_78, %select_n3A_79, %select_n3A_76 : i32
      %add3A_81 = arith.constant 0 : i32
      %add3A_82 = arith.addi %add3A_81, %mul3A_6 : i32
      %select_n3A_83 = arith.constant true
      %select_n3A_84 = arith.constant 0 : i32
      %select_n3A_85 = arith.constant 1 : i32
      %select_n3A_86 = arith.select %select_n3A_83, %select_n3A_85, %select_n3A_84 : i32
      %eq3A_87 = arith.constant 1 : i32
      %eq3A_88 = arith.cmpi eq, %select_n3A_86, %eq3A_87 : i32
      %select_n3A_89 = arith.constant 0 : i32
      %select_n3A_90 = arith.select %eq3A_88, %select_n3A_89, %select_n3A_86 : i32
      %add3A_91 = arith.constant 0 : i32
      %add3A_92 = arith.addi %add3A_91, %mul3A_6 : i32
      %select_n3A_93 = arith.constant true
      %select_n3A_94 = arith.constant 0 : i32
      %select_n3A_95 = arith.constant 1 : i32
      %select_n3A_96 = arith.select %select_n3A_93, %select_n3A_95, %select_n3A_94 : i32
      %eq3A_97 = arith.constant 1 : i32
      %eq3A_98 = arith.cmpi eq, %select_n3A_96, %eq3A_97 : i32
      %select_n3A_99 = arith.constant 0 : i32
      %select_n3A_100 = arith.select %eq3A_98, %select_n3A_99, %select_n3A_96 : i32
      %add3A_101 = arith.constant 0 : i32
      %add3A_102 = arith.addi %add3A_101, %mul3A_6 : i32
      %ne3A = arith.cmpi ne, %add3A_72, %add3A_92 : i32
      %or3A = arith.constant false
      %or3A_103 = arith.ori %or3A, %ne3A : i1
      %ge3A = arith.constant 0 : i32
      %ge3A_104 = arith.cmpi sge, %scan3A_66, %ge3A : i32
      %not3A = arith.constant true
      %not3A_105 = arith.xori %ge3A_104, %not3A : i1
      %and3A = arith.andi %or3A_103, %not3A_105 : i1
      %convert_element_type3A = arith.extui %and3A : i1 to i32
      %cond3A = arith.constant 0 : i32
      %cond3A_106 = arith.cmpi ne, %convert_element_type3A, %cond3A : i32
      scf.if %cond3A_106 {
        "tpu.trace_start"() <{level = 10 : i32, message = "ep_copy_in"}> : () -> ()
        %rem3A_266 = arith.constant 2 : i32
        %rem3A_267 = arith.remui %select_n3A_62, %rem3A_266 : i32
        %mul3A_268 = arith.constant 256 : i32
        %mul3A_269 = arith.muli %mul3A_268, %add3A_92 : i32
        %dma_start3A_270 = arith.constant 0 : i32
        %dma_start3A_271 = arith.constant 0 : i32
        %dma_start3A_272 = tpu.memref_slice %run_scoped3A[%rem3A_267, %dma_start3A_270, %dma_start3A_271] : memref<2x1x256xi32, #tpu.memory_space<vmem>> -> memref<1x1x256xi32, #tpu.memory_space<vmem>>
        %dma_start3A_273 = tpu.memref_squeeze %dma_start3A_272 : memref<1x1x256xi32, #tpu.memory_space<vmem>> -> memref<1x256xi32, #tpu.memory_space<vmem>>
        %dma_start3A_274 = arith.constant 0 : i32
        %dma_start3A_275 = tpu.memref_slice %arg3[%dma_start3A_274, %mul3A_269] : memref<1x8192xi32, #tpu.memory_space<hbm>> -> memref<1x256xi32, #tpu.memory_space<hbm>>
        %dma_start3A_276 = tpu.memref_slice %run_scoped3A_7[%rem3A_267] : memref<2x!tpu.dma_semaphore, #tpu.memory_space<semaphore_mem>> -> memref<1x!tpu.dma_semaphore, #tpu.memory_space<semaphore_mem>>
        %dma_start3A_277 = tpu.memref_squeeze %dma_start3A_276 : memref<1x!tpu.dma_semaphore, #tpu.memory_space<semaphore_mem>> -> memref<!tpu.dma_semaphore, #tpu.memory_space<semaphore_mem>>
        %dma_start3A_278 = arith.constant 0 : i32
        %dma_start3A_279 = arith.constant 0 : i32
        %dma_start3A_280 = tpu.memref_slice %run_scoped3A[%rem3A_267, %dma_start3A_278, %dma_start3A_279] : memref<2x1x256xi32, #tpu.memory_space<vmem>> -> memref<1x1x256xi32, #tpu.memory_space<vmem>>
        %dma_start3A_281 = tpu.memref_squeeze %dma_start3A_280 : memref<1x1x256xi32, #tpu.memory_space<vmem>> -> memref<1x256xi32, #tpu.memory_space<vmem>>
        %dma_start3A_282 = arith.constant 0 : i32
        %dma_start3A_283 = tpu.memref_slice %arg3[%dma_start3A_282, %mul3A_269] : memref<1x8192xi32, #tpu.memory_space<hbm>> -> memref<1x256xi32, #tpu.memory_space<hbm>>
        tpu.enqueue_dma source(%dma_start3A_283 : memref<1x256xi32, #tpu.memory_space<hbm>>) target(%dma_start3A_281 : memref<1x256xi32, #tpu.memory_space<vmem>>) target_semaphore(%dma_start3A_277 : memref<!tpu.dma_semaphore, #tpu.memory_space<semaphore_mem>>)
        "tpu.trace_stop"() : () -> ()
      } else {
      }
      %and3A_107 = arith.constant true
      %and3A_108 = arith.andi %and3A, %and3A_107 : i1
      %add3A_109 = arith.constant 1 : i32
      %add3A_110 = arith.addi %select_n3A_62, %add3A_109 : i32
      %select_n3A_111 = arith.select %and3A_108, %add3A_110, %select_n3A_62 : i32
      %ne3A_112 = arith.cmpi ne, %add3A_72, %add3A_92 : i32
      %or3A_113 = arith.constant false
      %or3A_114 = arith.ori %or3A_113, %ne3A_112 : i1
      %or3A_115 = arith.constant false
      %or3A_116 = arith.ori %or3A_114, %or3A_115 : i1
      %ge3A_117 = arith.constant 0 : i32
      %ge3A_118 = arith.cmpi sge, %scan3A_66, %ge3A_117 : i32
      %not3A_119 = arith.constant true
      %not3A_120 = arith.xori %ge3A_118, %not3A_119 : i1
      %and3A_121 = arith.andi %or3A_116, %not3A_120 : i1
      %ne3A_122 = arith.cmpi ne, %add3A_72, %add3A_82 : i32
      %or3A_123 = arith.constant false
      %or3A_124 = arith.ori %or3A_123, %ne3A_122 : i1
      %or3A_125 = arith.ori %or3A_124, %eq3A_68 : i1
      %convert_element_type3A_126 = arith.extui %or3A_125 : i1 to i32
      %cond3A_127 = arith.constant 0 : i32
      %cond3A_128 = arith.cmpi ne, %convert_element_type3A_126, %cond3A_127 : i32
      scf.if %cond3A_128 {
        "tpu.trace_start"() <{level = 10 : i32, message = "ep_wait_in"}> : () -> ()
        %mul3A_266 = arith.constant 256 : i32
        %mul3A_267 = arith.muli %mul3A_266, %add3A_72 : i32
        %rem3A_268 = arith.constant 2 : i32
        %rem3A_269 = arith.remui %scan3A, %rem3A_268 : i32
        %dma_wait3A_270 = arith.constant 0 : i32
        %dma_wait3A_271 = arith.constant 0 : i32
        %dma_wait3A_272 = tpu.memref_slice %run_scoped3A[%rem3A_269, %dma_wait3A_270, %dma_wait3A_271] : memref<2x1x256xi32, #tpu.memory_space<vmem>> -> memref<1x1x256xi32, #tpu.memory_space<vmem>>
        %dma_wait3A_273 = tpu.memref_squeeze %dma_wait3A_272 : memref<1x1x256xi32, #tpu.memory_space<vmem>> -> memref<1x256xi32, #tpu.memory_space<vmem>>
        %dma_wait3A_274 = arith.constant 0 : i32
        %dma_wait3A_275 = tpu.memref_slice %arg3[%dma_wait3A_274, %mul3A_267] : memref<1x8192xi32, #tpu.memory_space<hbm>> -> memref<1x256xi32, #tpu.memory_space<hbm>>
        %dma_wait3A_276 = tpu.memref_slice %run_scoped3A_7[%rem3A_269] : memref<2x!tpu.dma_semaphore, #tpu.memory_space<semaphore_mem>> -> memref<1x!tpu.dma_semaphore, #tpu.memory_space<semaphore_mem>>
        %dma_wait3A_277 = tpu.memref_squeeze %dma_wait3A_276 : memref<1x!tpu.dma_semaphore, #tpu.memory_space<semaphore_mem>> -> memref<!tpu.dma_semaphore, #tpu.memory_space<semaphore_mem>>
        %dma_wait3A_278 = arith.constant 0 : i32
        %dma_wait3A_279 = arith.constant 0 : i32
        %dma_wait3A_280 = tpu.memref_slice %run_scoped3A[%rem3A_269, %dma_wait3A_278, %dma_wait3A_279] : memref<2x1x256xi32, #tpu.memory_space<vmem>> -> memref<1x1x256xi32, #tpu.memory_space<vmem>>
        %dma_wait3A_281 = tpu.memref_squeeze %dma_wait3A_280 : memref<1x1x256xi32, #tpu.memory_space<vmem>> -> memref<1x256xi32, #tpu.memory_space<vmem>>
        %dma_wait3A_282 = arith.constant 0 : i32
        %dma_wait3A_283 = tpu.memref_slice %arg3[%dma_wait3A_282, %mul3A_267] : memref<1x8192xi32, #tpu.memory_space<hbm>> -> memref<1x256xi32, #tpu.memory_space<hbm>>
        tpu.wait_dma2 semaphore(%dma_wait3A_277 : memref<!tpu.dma_semaphore, #tpu.memory_space<semaphore_mem>>) src(%dma_wait3A_283 : memref<1x256xi32, #tpu.memory_space<hbm>>) dst(%dma_wait3A_281 : memref<1x256xi32, #tpu.memory_space<vmem>>)
        "tpu.trace_stop"() : () -> ()
      } else {
      }
      %ne3A_129 = arith.cmpi ne, %add3A_72, %add3A_82 : i32
      %or3A_130 = arith.constant false
      %or3A_131 = arith.ori %or3A_130, %ne3A_129 : i1
      %or3A_132 = arith.constant false
      %or3A_133 = arith.ori %or3A_131, %or3A_132 : i1
      %or3A_134 = arith.ori %or3A_133, %eq3A_68 : i1
      %convert_element_type3A_135 = arith.extui %or3A_134 : i1 to i32
      %cond3A_136 = arith.constant 0 : i32
      %cond3A_137 = arith.cmpi ne, %convert_element_type3A_135, %cond3A_136 : i32
      scf.if %cond3A_137 {
      } else {
      }
      %rem3A_138 = arith.constant 2 : i32
      %rem3A_139 = arith.remui %scan3A, %rem3A_138 : i32
      %rem3A_140 = arith.constant 2 : i32
      %rem3A_141 = arith.remui %scan3A_63, %rem3A_140 : i32
      %run_scoped3A_142 = arith.constant 0 : i32
      "tpu.trace_start"() <{level = 10 : i32, message = "ep_run_kernel"}> : () -> ()
      "tpu.region"() ({
        %run_scoped3A_266 = tpu.sem_alloc : memref<!tpu.dma_semaphore, #tpu.memory_space<semaphore_mem>>
        %dma_start3A_267 = arith.constant 0 : i32
        %dma_start3A_268 = arith.constant 0 : i32
        %dma_start3A_269 = tpu.memref_slice %run_scoped3A_8[%rem3A_141, %dma_start3A_267, %dma_start3A_268] : memref<2x256x128xf32, #tpu.memory_space<vmem>> -> memref<1x256x128xf32, #tpu.memory_space<vmem>>
        %dma_start3A_270 = tpu.memref_squeeze %dma_start3A_269 : memref<1x256x128xf32, #tpu.memory_space<vmem>> -> memref<256x128xf32, #tpu.memory_space<vmem>>
        %dma_start3A_271 = arith.constant 0 : i32
        %dma_start3A_272 = arith.constant 0 : i32
        %dma_start3A_273 = tpu.memref_slice %run_scoped3A[%rem3A_139, %dma_start3A_271, %dma_start3A_272] : memref<2x1x256xi32, #tpu.memory_space<vmem>> -> memref<1x1x256xi32, #tpu.memory_space<vmem>>
        %dma_start3A_274 = tpu.memref_squeeze %dma_start3A_273 : memref<1x1x256xi32, #tpu.memory_space<vmem>> -> memref<1x256xi32, #tpu.memory_space<vmem>>
        %dma_start3A_275 = arith.constant 0 : i32
        %dma_start3A_276 = tpu.memref_slice %dma_start3A_274[%run_scoped3A_142, %dma_start3A_275] : memref<1x256xi32, #tpu.memory_space<vmem>> -> memref<1x256xi32, #tpu.memory_space<vmem>>
        %dma_start3A_277 = tpu.memref_squeeze %dma_start3A_276 : memref<1x256xi32, #tpu.memory_space<vmem>> -> memref<256xi32, #tpu.memory_space<vmem>>
        %dma_start3A_278 = arith.constant 0 : i32
        %dma_start3A_279 = arith.constant 0 : i32
        %dma_start3A_280 = tpu.memref_slice %arg2[%dma_start3A_278, %dma_start3A_279] : memref<16384x128xf32, #tpu.memory_space<hbm>> -> memref<16384x128xf32, #tpu.memory_space<hbm>>
        tpu.enqueue_indirect_dma source(%dma_start3A_280 : memref<16384x128xf32, #tpu.memory_space<hbm>>) target(%dma_start3A_270 : memref<256x128xf32, #tpu.memory_space<vmem>>) offsets(%dma_start3A_277 : memref<256xi32, #tpu.memory_space<vmem>>) semaphore(%run_scoped3A_266 : memref<!tpu.dma_semaphore, #tpu.memory_space<semaphore_mem>>)
        %dma_wait3A_281 = arith.constant 0 : i32
        %dma_wait3A_282 = arith.constant 0 : i32
        %dma_wait3A_283 = tpu.memref_slice %run_scoped3A_8[%rem3A_141, %dma_wait3A_281, %dma_wait3A_282] : memref<2x256x128xf32, #tpu.memory_space<vmem>> -> memref<1x256x128xf32, #tpu.memory_space<vmem>>
        %dma_wait3A_284 = tpu.memref_squeeze %dma_wait3A_283 : memref<1x256x128xf32, #tpu.memory_space<vmem>> -> memref<256x128xf32, #tpu.memory_space<vmem>>
        %dma_wait3A_285 = arith.constant 0 : i32
        %dma_wait3A_286 = arith.constant 0 : i32
        %dma_wait3A_287 = tpu.memref_slice %run_scoped3A[%rem3A_139, %dma_wait3A_285, %dma_wait3A_286] : memref<2x1x256xi32, #tpu.memory_space<vmem>> -> memref<1x1x256xi32, #tpu.memory_space<vmem>>
        %dma_wait3A_288 = tpu.memref_squeeze %dma_wait3A_287 : memref<1x1x256xi32, #tpu.memory_space<vmem>> -> memref<1x256xi32, #tpu.memory_space<vmem>>
        %dma_wait3A_289 = arith.constant 0 : i32
        %dma_wait3A_290 = tpu.memref_slice %dma_wait3A_288[%run_scoped3A_142, %dma_wait3A_289] : memref<1x256xi32, #tpu.memory_space<vmem>> -> memref<1x256xi32, #tpu.memory_space<vmem>>
        %dma_wait3A_291 = tpu.memref_squeeze %dma_wait3A_290 : memref<1x256xi32, #tpu.memory_space<vmem>> -> memref<256xi32, #tpu.memory_space<vmem>>
        %dma_wait3A_292 = arith.constant 0 : i32
        %dma_wait3A_293 = arith.constant 0 : i32
        %dma_wait3A_294 = tpu.memref_slice %arg2[%dma_wait3A_292, %dma_wait3A_293] : memref<16384x128xf32, #tpu.memory_space<hbm>> -> memref<16384x128xf32, #tpu.memory_space<hbm>>
        tpu.wait_indirect_dma semaphore(%run_scoped3A_266 : memref<!tpu.dma_semaphore, #tpu.memory_space<semaphore_mem>>) src(%dma_wait3A_294 : memref<16384x128xf32, #tpu.memory_space<hbm>>) dst(%dma_wait3A_284 : memref<256x128xf32, #tpu.memory_space<vmem>>)
        tpu.yield
      }) : () -> ()
      "tpu.trace_stop"() : () -> ()
      %ne3A_143 = arith.cmpi ne, %add3A_72, %add3A_92 : i32
      %or3A_144 = arith.constant false
      %or3A_145 = arith.ori %or3A_144, %ne3A_143 : i1
      %or3A_146 = arith.ori %or3A_145, %eq3A_70 : i1
      %convert_element_type3A_147 = arith.extui %or3A_146 : i1 to i32
      %cond3A_148 = arith.constant 0 : i32
      %cond3A_149 = arith.cmpi ne, %convert_element_type3A_147, %cond3A_148 : i32
      scf.if %cond3A_149 {
      } else {
      }
      %and3A_150 = arith.constant false
      %and3A_151 = arith.andi %or3A_146, %and3A_150 : i1
      %ne3A_152 = arith.cmpi ne, %add3A_72, %add3A_92 : i32
      %or3A_153 = arith.constant false
      %or3A_154 = arith.ori %or3A_153, %ne3A_152 : i1
      %or3A_155 = arith.constant false
      %or3A_156 = arith.ori %or3A_154, %or3A_155 : i1
      %or3A_157 = arith.ori %or3A_156, %eq3A_70 : i1
      %convert_element_type3A_158 = arith.extui %or3A_157 : i1 to i32
      %cond3A_159 = arith.constant 0 : i32
      %cond3A_160 = arith.cmpi ne, %convert_element_type3A_158, %cond3A_159 : i32
      scf.if %cond3A_160 {
        "tpu.trace_start"() <{level = 10 : i32, message = "ep_copy_out"}> : () -> ()
        %rem3A_266 = arith.constant 2 : i32
        %rem3A_267 = arith.remui %scan3A_63, %rem3A_266 : i32
        %mul3A_268 = arith.constant 256 : i32
        %mul3A_269 = arith.muli %mul3A_268, %add3A_72 : i32
        %dma_start3A_270 = arith.constant 0 : i32
        %dma_start3A_271 = arith.constant 0 : i32
        %dma_start3A_272 = tpu.memref_slice %run_scoped3A_8[%rem3A_267, %dma_start3A_270, %dma_start3A_271] : memref<2x256x128xf32, #tpu.memory_space<vmem>> -> memref<1x256x128xf32, #tpu.memory_space<vmem>>
        %dma_start3A_273 = tpu.memref_squeeze %dma_start3A_272 : memref<1x256x128xf32, #tpu.memory_space<vmem>> -> memref<256x128xf32, #tpu.memory_space<vmem>>
        %dma_start3A_274 = arith.constant 0 : i32
        %dma_start3A_275 = tpu.memref_slice %arg4[%mul3A_269, %dma_start3A_274] : memref<8192x128xf32, #tpu.memory_space<hbm>> -> memref<256x128xf32, #tpu.memory_space<hbm>>
        %dma_start3A_276 = tpu.memref_slice %run_scoped3A_9[%rem3A_267] : memref<2x!tpu.dma_semaphore, #tpu.memory_space<semaphore_mem>> -> memref<1x!tpu.dma_semaphore, #tpu.memory_space<semaphore_mem>>
        %dma_start3A_277 = tpu.memref_squeeze %dma_start3A_276 : memref<1x!tpu.dma_semaphore, #tpu.memory_space<semaphore_mem>> -> memref<!tpu.dma_semaphore, #tpu.memory_space<semaphore_mem>>
        %dma_start3A_278 = arith.constant 0 : i32
        %dma_start3A_279 = tpu.memref_slice %arg4[%mul3A_269, %dma_start3A_278] : memref<8192x128xf32, #tpu.memory_space<hbm>> -> memref<256x128xf32, #tpu.memory_space<hbm>>
        %dma_start3A_280 = arith.constant 0 : i32
        %dma_start3A_281 = arith.constant 0 : i32
        %dma_start3A_282 = tpu.memref_slice %run_scoped3A_8[%rem3A_267, %dma_start3A_280, %dma_start3A_281] : memref<2x256x128xf32, #tpu.memory_space<vmem>> -> memref<1x256x128xf32, #tpu.memory_space<vmem>>
        %dma_start3A_283 = tpu.memref_squeeze %dma_start3A_282 : memref<1x256x128xf32, #tpu.memory_space<vmem>> -> memref<256x128xf32, #tpu.memory_space<vmem>>
        tpu.enqueue_dma source(%dma_start3A_283 : memref<256x128xf32, #tpu.memory_space<vmem>>) target(%dma_start3A_279 : memref<256x128xf32, #tpu.memory_space<hbm>>) target_semaphore(%dma_start3A_277 : memref<!tpu.dma_semaphore, #tpu.memory_space<semaphore_mem>>)
        "tpu.trace_stop"() : () -> ()
      } else {
      }
      %and3A_161 = arith.constant true
      %and3A_162 = arith.andi %or3A_157, %and3A_161 : i1
      %add3A_163 = arith.constant 1 : i32
      %add3A_164 = arith.addi %scan3A_63, %add3A_163 : i32
      %select_n3A_165 = arith.select %and3A_162, %add3A_164, %scan3A_63 : i32
      %ne3A_166 = arith.cmpi ne, %add3A_72, %add3A_82 : i32
      %or3A_167 = arith.constant false
      %or3A_168 = arith.ori %or3A_167, %ne3A_166 : i1
      %not3A_169 = arith.constant true
      %not3A_170 = arith.xori %eq3A_68, %not3A_169 : i1
      %and3A_171 = arith.andi %or3A_168, %not3A_170 : i1
      %convert_element_type3A_172 = arith.extui %and3A_171 : i1 to i32
      %cond3A_173 = arith.constant 0 : i32
      %cond3A_174 = arith.cmpi ne, %convert_element_type3A_172, %cond3A_173 : i32
      scf.if %cond3A_174 {
      } else {
      }
      %and3A_175 = arith.constant false
      %and3A_176 = arith.andi %and3A_171, %and3A_175 : i1
      %ne3A_177 = arith.cmpi ne, %add3A_72, %add3A_82 : i32
      %or3A_178 = arith.constant false
      %or3A_179 = arith.ori %or3A_178, %ne3A_177 : i1
      %or3A_180 = arith.constant false
      %or3A_181 = arith.ori %or3A_179, %or3A_180 : i1
      %not3A_182 = arith.constant true
      %not3A_183 = arith.xori %eq3A_68, %not3A_182 : i1
      %and3A_184 = arith.andi %or3A_181, %not3A_183 : i1
      %convert_element_type3A_185 = arith.extui %and3A_184 : i1 to i32
      %cond3A_186 = arith.constant 0 : i32
      %cond3A_187 = arith.cmpi ne, %convert_element_type3A_185, %cond3A_186 : i32
      scf.if %cond3A_187 {
        "tpu.trace_start"() <{level = 10 : i32, message = "ep_wait_out"}> : () -> ()
        %rem3A_266 = arith.constant 2 : i32
        %rem3A_267 = arith.remui %scan3A_64, %rem3A_266 : i32
        %mul3A_268 = arith.constant 256 : i32
        %mul3A_269 = arith.muli %mul3A_268, %add3A_82 : i32
        %dma_wait3A_270 = arith.constant 0 : i32
        %dma_wait3A_271 = arith.constant 0 : i32
        %dma_wait3A_272 = tpu.memref_slice %run_scoped3A_8[%rem3A_267, %dma_wait3A_270, %dma_wait3A_271] : memref<2x256x128xf32, #tpu.memory_space<vmem>> -> memref<1x256x128xf32, #tpu.memory_space<vmem>>
        %dma_wait3A_273 = tpu.memref_squeeze %dma_wait3A_272 : memref<1x256x128xf32, #tpu.memory_space<vmem>> -> memref<256x128xf32, #tpu.memory_space<vmem>>
        %dma_wait3A_274 = arith.constant 0 : i32
        %dma_wait3A_275 = tpu.memref_slice %arg4[%mul3A_269, %dma_wait3A_274] : memref<8192x128xf32, #tpu.memory_space<hbm>> -> memref<256x128xf32, #tpu.memory_space<hbm>>
        %dma_wait3A_276 = tpu.memref_slice %run_scoped3A_9[%rem3A_267] : memref<2x!tpu.dma_semaphore, #tpu.memory_space<semaphore_mem>> -> memref<1x!tpu.dma_semaphore, #tpu.memory_space<semaphore_mem>>
        %dma_wait3A_277 = tpu.memref_squeeze %dma_wait3A_276 : memref<1x!tpu.dma_semaphore, #tpu.memory_space<semaphore_mem>> -> memref<!tpu.dma_semaphore, #tpu.memory_space<semaphore_mem>>
        %dma_wait3A_278 = arith.constant 0 : i32
        %dma_wait3A_279 = tpu.memref_slice %arg4[%mul3A_269, %dma_wait3A_278] : memref<8192x128xf32, #tpu.memory_space<hbm>> -> memref<256x128xf32, #tpu.memory_space<hbm>>
        %dma_wait3A_280 = arith.constant 0 : i32
        %dma_wait3A_281 = arith.constant 0 : i32
        %dma_wait3A_282 = tpu.memref_slice %run_scoped3A_8[%rem3A_267, %dma_wait3A_280, %dma_wait3A_281] : memref<2x256x128xf32, #tpu.memory_space<vmem>> -> memref<1x256x128xf32, #tpu.memory_space<vmem>>
        %dma_wait3A_283 = tpu.memref_squeeze %dma_wait3A_282 : memref<1x256x128xf32, #tpu.memory_space<vmem>> -> memref<256x128xf32, #tpu.memory_space<vmem>>
        tpu.wait_dma2 semaphore(%dma_wait3A_277 : memref<!tpu.dma_semaphore, #tpu.memory_space<semaphore_mem>>) src(%dma_wait3A_283 : memref<256x128xf32, #tpu.memory_space<vmem>>) dst(%dma_wait3A_279 : memref<256x128xf32, #tpu.memory_space<hbm>>)
        "tpu.trace_stop"() : () -> ()
      } else {
      }
      %and3A_188 = arith.constant true
      %and3A_189 = arith.andi %and3A_184, %and3A_188 : i1
      %add3A_190 = arith.constant 1 : i32
      %add3A_191 = arith.addi %scan3A_64, %add3A_190 : i32
      %select_n3A_192 = arith.select %and3A_189, %add3A_191, %scan3A_64 : i32
      %ne3A_193 = arith.cmpi ne, %add3A_72, %add3A_92 : i32
      %or3A_194 = arith.constant false
      %or3A_195 = arith.ori %or3A_194, %ne3A_193 : i1
      %or3A_196 = arith.ori %or3A_195, %eq3A_70 : i1
      %add3A_197 = arith.constant 1 : i32
      %add3A_198 = arith.addi %scan3A, %add3A_197 : i32
      %select_n3A_199 = arith.select %or3A_196, %add3A_198, %scan3A : i32
      %select_n3A_200 = arith.constant true
      %select_n3A_201 = arith.constant 0 : i32
      %select_n3A_202 = arith.constant 1 : i32
      %select_n3A_203 = arith.select %select_n3A_200, %select_n3A_202, %select_n3A_201 : i32
      %eq3A_204 = arith.constant 1 : i32
      %eq3A_205 = arith.cmpi eq, %select_n3A_203, %eq3A_204 : i32
      %select_n3A_206 = arith.constant 0 : i32
      %select_n3A_207 = arith.select %eq3A_205, %select_n3A_206, %select_n3A_203 : i32
      %scan3A_208 = arith.constant 0 : i32
      %scan3A_209 = arith.constant 1 : i32
      %sub3A = arith.constant 1 : i32
      %sub3A_210 = arith.subi %scan3A_208, %sub3A : i32
      %select_n3A_211 = arith.constant true
      %select_n3A_212 = arith.select %select_n3A_211, %sub3A_210, %scan3A_208 : i32
      %eq3A_213 = arith.constant -1 : i32
      %eq3A_214 = arith.cmpi eq, %select_n3A_212, %eq3A_213 : i32
      %select_n3A_215 = arith.constant 0 : i32
      %select_n3A_216 = arith.select %eq3A_214, %select_n3A_215, %select_n3A_212 : i32
      %add3A_217 = arith.constant 0 : i32
      %add3A_218 = arith.addi %add3A_217, %mul3A_6 : i32
      %select_n3A_219 = arith.constant true
      %select_n3A_220 = arith.constant 0 : i32
      %select_n3A_221 = arith.constant -1 : i32
      %select_n3A_222 = arith.select %select_n3A_219, %select_n3A_221, %select_n3A_220 : i32
      %eq3A_223 = arith.constant -1 : i32
      %eq3A_224 = arith.cmpi eq, %select_n3A_222, %eq3A_223 : i32
      %select_n3A_225 = arith.constant 0 : i32
      %select_n3A_226 = arith.select %eq3A_224, %select_n3A_225, %select_n3A_222 : i32
      %add3A_227 = arith.constant 0 : i32
      %add3A_228 = arith.addi %add3A_227, %mul3A_6 : i32
      %select_n3A_229 = arith.constant true
      %select_n3A_230 = arith.constant 0 : i32
      %select_n3A_231 = arith.constant 1 : i32
      %select_n3A_232 = arith.select %select_n3A_229, %select_n3A_231, %select_n3A_230 : i32
      %eq3A_233 = arith.constant 1 : i32
      %eq3A_234 = arith.cmpi eq, %select_n3A_232, %eq3A_233 : i32
      %select_n3A_235 = arith.constant 0 : i32
      %select_n3A_236 = arith.select %eq3A_234, %select_n3A_235, %select_n3A_232 : i32
      %add3A_237 = arith.constant 0 : i32
      %add3A_238 = arith.addi %add3A_237, %mul3A_6 : i32
      %select_n3A_239 = arith.constant true
      %select_n3A_240 = arith.constant 0 : i32
      %select_n3A_241 = arith.constant 1 : i32
      %select_n3A_242 = arith.select %select_n3A_239, %select_n3A_241, %select_n3A_240 : i32
      %eq3A_243 = arith.constant 1 : i32
      %eq3A_244 = arith.cmpi eq, %select_n3A_242, %eq3A_243 : i32
      %select_n3A_245 = arith.constant 0 : i32
      %select_n3A_246 = arith.select %eq3A_244, %select_n3A_245, %select_n3A_242 : i32
      %add3A_247 = arith.constant 0 : i32
      %add3A_248 = arith.addi %add3A_247, %mul3A_6 : i32
      "tpu.trace_start"() <{level = 10 : i32, message = "ep_finalize"}> : () -> ()
      %rem3A_249 = arith.constant 2 : i32
      %rem3A_250 = arith.remui %select_n3A_192, %rem3A_249 : i32
      %mul3A_251 = arith.constant 256 : i32
      %mul3A_252 = arith.muli %mul3A_251, %add3A_218 : i32
      %dma_wait3A = arith.constant 0 : i32
      %dma_wait3A_253 = arith.constant 0 : i32
      %dma_wait3A_254 = tpu.memref_slice %run_scoped3A_8[%rem3A_250, %dma_wait3A, %dma_wait3A_253] : memref<2x256x128xf32, #tpu.memory_space<vmem>> -> memref<1x256x128xf32, #tpu.memory_space<vmem>>
      %dma_wait3A_255 = tpu.memref_squeeze %dma_wait3A_254 : memref<1x256x128xf32, #tpu.memory_space<vmem>> -> memref<256x128xf32, #tpu.memory_space<vmem>>
      %dma_wait3A_256 = arith.constant 0 : i32
      %dma_wait3A_257 = tpu.memref_slice %arg4[%mul3A_252, %dma_wait3A_256] : memref<8192x128xf32, #tpu.memory_space<hbm>> -> memref<256x128xf32, #tpu.memory_space<hbm>>
      %dma_wait3A_258 = tpu.memref_slice %run_scoped3A_9[%rem3A_250] : memref<2x!tpu.dma_semaphore, #tpu.memory_space<semaphore_mem>> -> memref<1x!tpu.dma_semaphore, #tpu.memory_space<semaphore_mem>>
      %dma_wait3A_259 = tpu.memref_squeeze %dma_wait3A_258 : memref<1x!tpu.dma_semaphore, #tpu.memory_space<semaphore_mem>> -> memref<!tpu.dma_semaphore, #tpu.memory_space<semaphore_mem>>
      %dma_wait3A_260 = arith.constant 0 : i32
      %dma_wait3A_261 = tpu.memref_slice %arg4[%mul3A_252, %dma_wait3A_260] : memref<8192x128xf32, #tpu.memory_space<hbm>> -> memref<256x128xf32, #tpu.memory_space<hbm>>
      %dma_wait3A_262 = arith.constant 0 : i32
      %dma_wait3A_263 = arith.constant 0 : i32
      %dma_wait3A_264 = tpu.memref_slice %run_scoped3A_8[%rem3A_250, %dma_wait3A_262, %dma_wait3A_263] : memref<2x256x128xf32, #tpu.memory_space<vmem>> -> memref<1x256x128xf32, #tpu.memory_space<vmem>>
      %dma_wait3A_265 = tpu.memref_squeeze %dma_wait3A_264 : memref<1x256x128xf32, #tpu.memory_space<vmem>> -> memref<256x128xf32, #tpu.memory_space<vmem>>
      tpu.wait_dma2 semaphore(%dma_wait3A_259 : memref<!tpu.dma_semaphore, #tpu.memory_space<semaphore_mem>>) src(%dma_wait3A_265 : memref<256x128xf32, #tpu.memory_space<vmem>>) dst(%dma_wait3A_261 : memref<256x128xf32, #tpu.memory_space<hbm>>)
      "tpu.trace_stop"() : () -> ()
      tpu.yield
    }) : () -> ()
    return
  }
}

module attributes {stable_mosaic.version = 14 : i64} {
  func.func @_norm_body(%arg0: i32, %arg1: memref<8xi32, #tpu.memory_space<smem>>, %arg2: memref<32x2048xf32, #tpu.memory_space<vmem>>, %arg3: memref<32x2048xf32, #tpu.memory_space<vmem>>, %arg4: memref<2x40x2048xf32, #tpu.memory_space<vmem>>) attributes {dimension_semantics = [#tpu.dimension_semantics<arbitrary>], iteration_bounds = array<i64: 4>, scalar_prefetch = 1 : i64, scratch_operands = 0 : i64, tpu.core_type = #tpu.core_type<tc>, window_params = [{transform_indices = @transform_0, window_bounds = array<i64: 32, 2048>}, {transform_indices = @transform_1, window_bounds = array<i64: 32, 2048>}, {transform_indices = @transform_2, window_bounds = array<i64: 2, 40, 2048>}]} {
    %get3A = arith.constant 0 : index
    %get3A_0 = arith.constant 0 : index
    %get3A_1 = vector.load %arg2[%get3A, %get3A_0] : memref<32x2048xf32, #tpu.memory_space<vmem>>, vector<32x2048xf32>
    %get3A_2 = arith.constant 0 : index
    %get3A_3 = arith.constant 0 : index
    %get3A_4 = vector.load %arg3[%get3A_2, %get3A_3] : memref<32x2048xf32, #tpu.memory_space<vmem>>, vector<32x2048xf32>
    %mul3A = arith.mulf %get3A_1, %get3A_1 : vector<32x2048xf32>
    %mul3A_5 = arith.mulf %get3A_4, %get3A_4 : vector<32x2048xf32>
    %broadcast_in_dim3A = arith.constant 0.000000e+00 : f32
    %broadcast_in_dim3A_6 = vector.broadcast %broadcast_in_dim3A : f32 to vector<32x2048xf32>
    %get3A_7 = arith.constant 0 : index
    %get3A_8 = memref.load %arg1[%get3A_7] : memref<8xi32, #tpu.memory_space<smem>>
    %eq3A = arith.constant 1 : i32
    %eq3A_9 = arith.cmpi eq, %get3A_8, %eq3A : i32
    %select_n3A = arith.select %eq3A_9, %mul3A_5, %mul3A : vector<32x2048xf32>
    %add3A = arith.addf %broadcast_in_dim3A_6, %select_n3A : vector<32x2048xf32>
    %get3A_10 = arith.constant 1 : index
    %get3A_11 = memref.load %arg1[%get3A_10] : memref<8xi32, #tpu.memory_space<smem>>
    %eq3A_12 = arith.constant 1 : i32
    %eq3A_13 = arith.cmpi eq, %get3A_11, %eq3A_12 : i32
    %select_n3A_14 = arith.select %eq3A_13, %mul3A_5, %mul3A : vector<32x2048xf32>
    %add3A_15 = arith.addf %add3A, %select_n3A_14 : vector<32x2048xf32>
    %get3A_16 = arith.constant 2 : index
    %get3A_17 = memref.load %arg1[%get3A_16] : memref<8xi32, #tpu.memory_space<smem>>
    %eq3A_18 = arith.constant 1 : i32
    %eq3A_19 = arith.cmpi eq, %get3A_17, %eq3A_18 : i32
    %select_n3A_20 = arith.select %eq3A_19, %mul3A_5, %mul3A : vector<32x2048xf32>
    %add3A_21 = arith.addf %add3A_15, %select_n3A_20 : vector<32x2048xf32>
    %get3A_22 = arith.constant 3 : index
    %get3A_23 = memref.load %arg1[%get3A_22] : memref<8xi32, #tpu.memory_space<smem>>
    %eq3A_24 = arith.constant 1 : i32
    %eq3A_25 = arith.cmpi eq, %get3A_23, %eq3A_24 : i32
    %select_n3A_26 = arith.select %eq3A_25, %mul3A_5, %mul3A : vector<32x2048xf32>
    %add3A_27 = arith.addf %add3A_21, %select_n3A_26 : vector<32x2048xf32>
    %get3A_28 = arith.constant 4 : index
    %get3A_29 = memref.load %arg1[%get3A_28] : memref<8xi32, #tpu.memory_space<smem>>
    %eq3A_30 = arith.constant 1 : i32
    %eq3A_31 = arith.cmpi eq, %get3A_29, %eq3A_30 : i32
    %select_n3A_32 = arith.select %eq3A_31, %mul3A_5, %mul3A : vector<32x2048xf32>
    %add3A_33 = arith.addf %add3A_27, %select_n3A_32 : vector<32x2048xf32>
    %get3A_34 = arith.constant 5 : index
    %get3A_35 = memref.load %arg1[%get3A_34] : memref<8xi32, #tpu.memory_space<smem>>
    %eq3A_36 = arith.constant 1 : i32
    %eq3A_37 = arith.cmpi eq, %get3A_35, %eq3A_36 : i32
    %select_n3A_38 = arith.select %eq3A_37, %mul3A_5, %mul3A : vector<32x2048xf32>
    %add3A_39 = arith.addf %add3A_33, %select_n3A_38 : vector<32x2048xf32>
    %get3A_40 = arith.constant 6 : index
    %get3A_41 = memref.load %arg1[%get3A_40] : memref<8xi32, #tpu.memory_space<smem>>
    %eq3A_42 = arith.constant 1 : i32
    %eq3A_43 = arith.cmpi eq, %get3A_41, %eq3A_42 : i32
    %select_n3A_44 = arith.select %eq3A_43, %mul3A_5, %mul3A : vector<32x2048xf32>
    %add3A_45 = arith.addf %add3A_39, %select_n3A_44 : vector<32x2048xf32>
    %get3A_46 = arith.constant 7 : index
    %get3A_47 = memref.load %arg1[%get3A_46] : memref<8xi32, #tpu.memory_space<smem>>
    %eq3A_48 = arith.constant 1 : i32
    %eq3A_49 = arith.cmpi eq, %get3A_47, %eq3A_48 : i32
    %select_n3A_50 = arith.select %eq3A_49, %mul3A_5, %mul3A : vector<32x2048xf32>
    %add3A_51 = arith.addf %add3A_45, %select_n3A_50 : vector<32x2048xf32>
    %sqrt3A = math.sqrt %add3A_51 : vector<32x2048xf32>
    %broadcast_in_dim3A_52 = arith.constant 1.000000e+00 : f32
    %broadcast_in_dim3A_53 = vector.broadcast %broadcast_in_dim3A_52 : f32 to vector<1x2048xf32>
    %broadcast_in_dim3A_54 = arith.constant 0.000000e+00 : f32
    %broadcast_in_dim3A_55 = vector.broadcast %broadcast_in_dim3A_54 : f32 to vector<6x2048xf32>
    %div3A = arith.divf %get3A_1, %sqrt3A : vector<32x2048xf32>
    %mul3A_56 = arith.mulf %div3A, %div3A : vector<32x2048xf32>
    %reduce_sum3A = arith.constant dense<0.000000e+00> : vector<2048xf32>
    %reduce_sum3A_57 = vector.multi_reduction <add>, %mul3A_56, %reduce_sum3A [0] : vector<32x2048xf32> to vector<2048xf32>
    %broadcast_in_dim3A_58 = vector.shape_cast %reduce_sum3A_57 : vector<2048xf32> to vector<1x2048xf32>
    %concatenate3A = tpu.concatenate %div3A, %broadcast_in_dim3A_53, %broadcast_in_dim3A_58, %broadcast_in_dim3A_55 in 0 : vector<32x2048xf32>, vector<1x2048xf32>, vector<1x2048xf32>, vector<6x2048xf32> -> vector<40x2048xf32>
    %swap3A = arith.constant 0 : index
    %swap3A_59 = arith.constant 0 : index
    %swap3A_60 = arith.constant 0 : index
    %swap3A_61 = vector.load %arg4[%swap3A, %swap3A_59, %swap3A_60] : memref<2x40x2048xf32, #tpu.memory_space<vmem>>, vector<1x40x2048xf32>
    %swap3A_62 = vector.shape_cast %swap3A_61 : vector<1x40x2048xf32> to vector<40x2048xf32>
    %swap3A_63 = vector.shape_cast %concatenate3A : vector<40x2048xf32> to vector<1x40x2048xf32>
    tpu.vector_store %arg4[%swap3A, %swap3A_59, %swap3A_60], %swap3A_63 {strides = array<i32>} : memref<2x40x2048xf32, #tpu.memory_space<vmem>>, vector<1x40x2048xf32>,
    %div3A_64 = arith.divf %get3A_4, %sqrt3A : vector<32x2048xf32>
    %mul3A_65 = arith.mulf %div3A_64, %div3A_64 : vector<32x2048xf32>
    %reduce_sum3A_66 = arith.constant dense<0.000000e+00> : vector<2048xf32>
    %reduce_sum3A_67 = vector.multi_reduction <add>, %mul3A_65, %reduce_sum3A_66 [0] : vector<32x2048xf32> to vector<2048xf32>
    %broadcast_in_dim3A_68 = vector.shape_cast %reduce_sum3A_67 : vector<2048xf32> to vector<1x2048xf32>
    %concatenate3A_69 = tpu.concatenate %div3A_64, %broadcast_in_dim3A_53, %broadcast_in_dim3A_68, %broadcast_in_dim3A_55 in 0 : vector<32x2048xf32>, vector<1x2048xf32>, vector<1x2048xf32>, vector<6x2048xf32> -> vector<40x2048xf32>
    %swap3A_70 = arith.constant 1 : index
    %swap3A_71 = arith.constant 0 : index
    %swap3A_72 = arith.constant 0 : index
    %swap3A_73 = vector.load %arg4[%swap3A_70, %swap3A_71, %swap3A_72] : memref<2x40x2048xf32, #tpu.memory_space<vmem>>, vector<1x40x2048xf32>
    %swap3A_74 = vector.shape_cast %swap3A_73 : vector<1x40x2048xf32> to vector<40x2048xf32>
    %swap3A_75 = vector.shape_cast %concatenate3A_69 : vector<40x2048xf32> to vector<1x40x2048xf32>
    tpu.vector_store %arg4[%swap3A_70, %swap3A_71, %swap3A_72], %swap3A_75 {strides = array<i32>} : memref<2x40x2048xf32, #tpu.memory_space<vmem>>, vector<1x40x2048xf32>,
    return
  }
  func.func @transform_0(%arg0: i32, %arg1: memref<8xi32, #tpu.memory_space<smem>>) -> (i32, i32) {
    %c0_i32 = arith.constant 0 : i32
    %c0_i32_0 = arith.constant 0 : i32
    return %c0_i32, %arg0 : i32, i32
  }
  func.func @transform_1(%arg0: i32, %arg1: memref<8xi32, #tpu.memory_space<smem>>) -> (i32, i32) {
    %c0_i32 = arith.constant 0 : i32
    %c0_i32_0 = arith.constant 0 : i32
    return %c0_i32, %arg0 : i32, i32
  }
  func.func @transform_2(%arg0: i32, %arg1: memref<8xi32, #tpu.memory_space<smem>>) -> (i32, i32, i32) {
    %c0_i32 = arith.constant 0 : i32
    %c0_i32_0 = arith.constant 0 : i32
    %c0_i32_1 = arith.constant 0 : i32
    return %c0_i32, %c0_i32_0, %arg0 : i32, i32, i32
  }
}

module attributes {stable_mosaic.version = 14 : i64} {
  func.func @_argmin_body(%arg0: i32, %arg1: i32, %arg2: memref<8xi32, #tpu.memory_space<smem>>, %arg3: memref<1x1024x32xf32, #tpu.memory_space<vmem>>, %arg4: memref<1x40x8192xf32, #tpu.memory_space<vmem>>, %arg5: memref<1x1024x1xi32, #tpu.memory_space<vmem>>, %arg6: memref<1024x32xf32, #tpu.memory_space<vmem>>, %arg7: memref<1024x128xf32, #tpu.memory_space<vmem>>, %arg8: memref<1024x128xf32, #tpu.memory_space<vmem>>, %arg9: memref<1024x128xi32, #tpu.memory_space<vmem>>) attributes {dimension_semantics = [#tpu.dimension_semantics<parallel>, #tpu.dimension_semantics<arbitrary>], iteration_bounds = array<i64: 8, 1>, scalar_prefetch = 1 : i64, scratch_operands = 4 : i64, tpu.core_type = #tpu.core_type<tc>, window_params = [{transform_indices = @transform_0, window_bounds = array<i64: 1, 1024, 32>}, {transform_indices = @transform_1, window_bounds = array<i64: 1, 40, 8192>}, {transform_indices = @transform_2, window_bounds = array<i64: 1, 1024, 1>}]} {
    %eq3A = arith.constant 0 : i32
    %eq3A_0 = arith.cmpi eq, %arg1, %eq3A : i32
    %convert_element_type3A = arith.extui %eq3A_0 : i1 to i32
    %cond3A = arith.constant 0 : i32
    %cond3A_1 = arith.cmpi ne, %convert_element_type3A, %cond3A : i32
    scf.if %cond3A_1 {
      %broadcast_in_dim3A_1489 = arith.constant 0x7F800000 : f32
      %broadcast_in_dim3A_1490 = vector.broadcast %broadcast_in_dim3A_1489 : f32 to vector<1024x128xf32>
      %swap3A_1491 = arith.constant 0 : index
      %swap3A_1492 = arith.constant 0 : index
      %swap3A_1493 = vector.load %arg8[%swap3A_1491, %swap3A_1492] : memref<1024x128xf32, #tpu.memory_space<vmem>>, vector<1024x128xf32>
      tpu.vector_store %arg8[%swap3A_1491, %swap3A_1492], %broadcast_in_dim3A_1490 {strides = array<i32>} : memref<1024x128xf32, #tpu.memory_space<vmem>>, vector<1024x128xf32>,
      %broadcast_in_dim3A_1494 = arith.constant 0 : i32
      %broadcast_in_dim3A_1495 = vector.broadcast %broadcast_in_dim3A_1494 : i32 to vector<1024x128xi32>
      %swap3A_1496 = arith.constant 0 : index
      %swap3A_1497 = arith.constant 0 : index
      %swap3A_1498 = vector.load %arg9[%swap3A_1496, %swap3A_1497] : memref<1024x128xi32, #tpu.memory_space<vmem>>, vector<1024x128xi32>
      tpu.vector_store %arg9[%swap3A_1496, %swap3A_1497], %broadcast_in_dim3A_1495 {strides = array<i32>} : memref<1024x128xi32, #tpu.memory_space<vmem>>, vector<1024x128xi32>,
      %get3A_1499 = arith.constant 0 : index
      %get3A_1500 = arith.constant 0 : index
      %get3A_1501 = arith.constant 0 : index
      %get3A_1502 = vector.load %arg3[%get3A_1499, %get3A_1500, %get3A_1501] : memref<1x1024x32xf32, #tpu.memory_space<vmem>>, vector<1x1024x32xf32>
      %get3A_1503 = vector.shape_cast %get3A_1502 : vector<1x1024x32xf32> to vector<1024x32xf32>
      %mul3A_1504 = arith.constant -2.000000e+00 : f32
      %mul3A_1505 = vector.broadcast %mul3A_1504 : f32 to vector<1024x32xf32>
      %mul3A_1506 = arith.mulf %get3A_1503, %mul3A_1505 : vector<1024x32xf32>
      %swap3A_1507 = arith.constant 0 : index
      %swap3A_1508 = arith.constant 0 : index
      %swap3A_1509 = vector.load %arg6[%swap3A_1507, %swap3A_1508] : memref<1024x32xf32, #tpu.memory_space<vmem>>, vector<1024x32xf32>
      tpu.vector_store %arg6[%swap3A_1507, %swap3A_1508], %mul3A_1506 {strides = array<i32>} : memref<1024x32xf32, #tpu.memory_space<vmem>>, vector<1024x32xf32>,
      %mul3A_1510 = arith.mulf %get3A_1503, %get3A_1503 : vector<1024x32xf32>
      %reduce_sum3A = arith.constant dense<0.000000e+00> : vector<1024xf32>
      %reduce_sum3A_1511 = vector.multi_reduction <add>, %mul3A_1510, %reduce_sum3A [1] : vector<1024x32xf32> to vector<1024xf32>
      %broadcast_in_dim3A_1512 = vector.shape_cast %reduce_sum3A_1511 : vector<1024xf32> to vector<1024x1xf32>
      %broadcast_in_dim3A_1513 = vector.shape_cast %broadcast_in_dim3A_1512 : vector<1024x1xf32> to vector<1024x1xf32>
      %broadcast_in_dim3A_1514 = vector.broadcast %broadcast_in_dim3A_1513 : vector<1024x1xf32> to vector<1024x128xf32>
      %swap3A_1515 = arith.constant 0 : index
      %swap3A_1516 = arith.constant 0 : index
      %swap3A_1517 = vector.load %arg7[%swap3A_1515, %swap3A_1516] : memref<1024x128xf32, #tpu.memory_space<vmem>>, vector<1024x128xf32>
      tpu.vector_store %arg7[%swap3A_1515, %swap3A_1516], %broadcast_in_dim3A_1514 {strides = array<i32>} : memref<1024x128xf32, #tpu.memory_space<vmem>>, vector<1024x128xf32>,
    } else {
    }
    %get3A = arith.constant 0 : index
    %get3A_2 = arith.constant 0 : index
    %get3A_3 = vector.load %arg6[%get3A, %get3A_2] : memref<1024x32xf32, #tpu.memory_space<vmem>>, vector<1024x32xf32>
    %get3A_4 = arith.constant 0 : index
    %get3A_5 = arith.constant 0 : index
    %get3A_6 = vector.load %arg7[%get3A_4, %get3A_5] : memref<1024x128xf32, #tpu.memory_space<vmem>>, vector<1024x128xf32>
    %get3A_7 = arith.constant 0 : index
    %get3A_8 = arith.constant 0 : index
    %get3A_9 = vector.load %arg8[%get3A_7, %get3A_8] : memref<1024x128xf32, #tpu.memory_space<vmem>>, vector<1024x128xf32>
    %get3A_10 = arith.constant 0 : index
    %get3A_11 = arith.constant 0 : index
    %get3A_12 = vector.load %arg9[%get3A_10, %get3A_11] : memref<1024x128xi32, #tpu.memory_space<vmem>>, vector<1024x128xi32>
    %get3A_13 = arith.constant 0 : index
    %get3A_14 = arith.constant 0 : index
    %get3A_15 = arith.constant 0 : index
    %get3A_16 = vector.load %arg4[%get3A_13, %get3A_14, %get3A_15] : memref<1x40x8192xf32, #tpu.memory_space<vmem>>, vector<1x32x128xf32>
    %get3A_17 = vector.shape_cast %get3A_16 : vector<1x32x128xf32> to vector<32x128xf32>
    %dot_general3A = arith.constant dense<0.000000e+00> : vector<1024x128xf32>
    %dot_general3A_18 = tpu.matmul %get3A_3, %get3A_17, %dot_general3A {dimension_numbers = #tpu.dot_dimension_numbers<[1], [0], [0], [1], [0, 0, 1, 1], [], []>, transpose_lhs_hint = false} : vector<1024x32xf32>, vector<32x128xf32>, vector<1024x128xf32> -> vector<1024x128xf32>
    %get3A_19 = arith.constant 0 : index
    %get3A_20 = arith.constant 33 : index
    %get3A_21 = arith.constant 0 : index
    %get3A_22 = vector.load %arg4[%get3A_19, %get3A_20, %get3A_21] : memref<1x40x8192xf32, #tpu.memory_space<vmem>>, vector<1x1x128xf32>
    %get3A_23 = vector.shape_cast %get3A_22 : vector<1x1x128xf32> to vector<1x128xf32>
    %add3A = arith.addf %get3A_6, %dot_general3A_18 : vector<1024x128xf32>
    %add3A_24 = vector.broadcast %get3A_23 : vector<1x128xf32> to vector<1024x128xf32>
    %add3A_25 = arith.addf %add3A, %add3A_24 : vector<1024x128xf32>
    %lt3A = arith.cmpf olt, %add3A_25, %get3A_9 : vector<1024x128xf32>
    %select_n3A = arith.select %lt3A, %add3A_25, %get3A_9 : vector<1024x128xi1>, vector<1024x128xf32>
    %mul3A = arith.constant 64 : i32
    %mul3A_26 = arith.muli %arg1, %mul3A : i32
    %add3A_27 = arith.constant 0 : i32
    %add3A_28 = arith.addi %mul3A_26, %add3A_27 : i32
    %broadcast_in_dim3A = vector.broadcast %add3A_28 : i32 to vector<1024x128xi32>
    %select_n3A_29 = arith.select %lt3A, %broadcast_in_dim3A, %get3A_12 : vector<1024x128xi1>, vector<1024x128xi32>
    %get3A_30 = arith.constant 0 : index
    %get3A_31 = arith.constant 0 : index
    %get3A_32 = arith.constant 128 : index
    %get3A_33 = vector.load %arg4[%get3A_30, %get3A_31, %get3A_32] : memref<1x40x8192xf32, #tpu.memory_space<vmem>>, vector<1x32x128xf32>
    %get3A_34 = vector.shape_cast %get3A_33 : vector<1x32x128xf32> to vector<32x128xf32>
    %dot_general3A_35 = arith.constant dense<0.000000e+00> : vector<1024x128xf32>
    %dot_general3A_36 = tpu.matmul %get3A_3, %get3A_34, %dot_general3A_35 {dimension_numbers = #tpu.dot_dimension_numbers<[1], [0], [0], [1], [0, 0, 1, 1], [], []>, transpose_lhs_hint = false} : vector<1024x32xf32>, vector<32x128xf32>, vector<1024x128xf32> -> vector<1024x128xf32>
    %get3A_37 = arith.constant 0 : index
    %get3A_38 = arith.constant 33 : index
    %get3A_39 = arith.constant 128 : index
    %get3A_40 = vector.load %arg4[%get3A_37, %get3A_38, %get3A_39] : memref<1x40x8192xf32, #tpu.memory_space<vmem>>, vector<1x1x128xf32>
    %get3A_41 = vector.shape_cast %get3A_40 : vector<1x1x128xf32> to vector<1x128xf32>
    %add3A_42 = arith.addf %get3A_6, %dot_general3A_36 : vector<1024x128xf32>
    %add3A_43 = vector.broadcast %get3A_41 : vector<1x128xf32> to vector<1024x128xf32>
    %add3A_44 = arith.addf %add3A_42, %add3A_43 : vector<1024x128xf32>
    %lt3A_45 = arith.cmpf olt, %add3A_44, %select_n3A : vector<1024x128xf32>
    %select_n3A_46 = arith.select %lt3A_45, %add3A_44, %select_n3A : vector<1024x128xi1>, vector<1024x128xf32>
    %mul3A_47 = arith.constant 64 : i32
    %mul3A_48 = arith.muli %arg1, %mul3A_47 : i32
    %add3A_49 = arith.constant 1 : i32
    %add3A_50 = arith.addi %mul3A_48, %add3A_49 : i32
    %broadcast_in_dim3A_51 = vector.broadcast %add3A_50 : i32 to vector<1024x128xi32>
    %select_n3A_52 = arith.select %lt3A_45, %broadcast_in_dim3A_51, %select_n3A_29 : vector<1024x128xi1>, vector<1024x128xi32>
    %get3A_53 = arith.constant 0 : index
    %get3A_54 = arith.constant 0 : index
    %get3A_55 = arith.constant 256 : index
    %get3A_56 = vector.load %arg4[%get3A_53, %get3A_54, %get3A_55] : memref<1x40x8192xf32, #tpu.memory_space<vmem>>, vector<1x32x128xf32>
    %get3A_57 = vector.shape_cast %get3A_56 : vector<1x32x128xf32> to vector<32x128xf32>
    %dot_general3A_58 = arith.constant dense<0.000000e+00> : vector<1024x128xf32>
    %dot_general3A_59 = tpu.matmul %get3A_3, %get3A_57, %dot_general3A_58 {dimension_numbers = #tpu.dot_dimension_numbers<[1], [0], [0], [1], [0, 0, 1, 1], [], []>, transpose_lhs_hint = false} : vector<1024x32xf32>, vector<32x128xf32>, vector<1024x128xf32> -> vector<1024x128xf32>
    %get3A_60 = arith.constant 0 : index
    %get3A_61 = arith.constant 33 : index
    %get3A_62 = arith.constant 256 : index
    %get3A_63 = vector.load %arg4[%get3A_60, %get3A_61, %get3A_62] : memref<1x40x8192xf32, #tpu.memory_space<vmem>>, vector<1x1x128xf32>
    %get3A_64 = vector.shape_cast %get3A_63 : vector<1x1x128xf32> to vector<1x128xf32>
    %add3A_65 = arith.addf %get3A_6, %dot_general3A_59 : vector<1024x128xf32>
    %add3A_66 = vector.broadcast %get3A_64 : vector<1x128xf32> to vector<1024x128xf32>
    %add3A_67 = arith.addf %add3A_65, %add3A_66 : vector<1024x128xf32>
    %lt3A_68 = arith.cmpf olt, %add3A_67, %select_n3A_46 : vector<1024x128xf32>
    %select_n3A_69 = arith.select %lt3A_68, %add3A_67, %select_n3A_46 : vector<1024x128xi1>, vector<1024x128xf32>
    %mul3A_70 = arith.constant 64 : i32
    %mul3A_71 = arith.muli %arg1, %mul3A_70 : i32
    %add3A_72 = arith.constant 2 : i32
    %add3A_73 = arith.addi %mul3A_71, %add3A_72 : i32
    %broadcast_in_dim3A_74 = vector.broadcast %add3A_73 : i32 to vector<1024x128xi32>
    %select_n3A_75 = arith.select %lt3A_68, %broadcast_in_dim3A_74, %select_n3A_52 : vector<1024x128xi1>, vector<1024x128xi32>
    %get3A_76 = arith.constant 0 : index
    %get3A_77 = arith.constant 0 : index
    %get3A_78 = arith.constant 384 : index
    %get3A_79 = vector.load %arg4[%get3A_76, %get3A_77, %get3A_78] : memref<1x40x8192xf32, #tpu.memory_space<vmem>>, vector<1x32x128xf32>
    %get3A_80 = vector.shape_cast %get3A_79 : vector<1x32x128xf32> to vector<32x128xf32>
    %dot_general3A_81 = arith.constant dense<0.000000e+00> : vector<1024x128xf32>
    %dot_general3A_82 = tpu.matmul %get3A_3, %get3A_80, %dot_general3A_81 {dimension_numbers = #tpu.dot_dimension_numbers<[1], [0], [0], [1], [0, 0, 1, 1], [], []>, transpose_lhs_hint = false} : vector<1024x32xf32>, vector<32x128xf32>, vector<1024x128xf32> -> vector<1024x128xf32>
    %get3A_83 = arith.constant 0 : index
    %get3A_84 = arith.constant 33 : index
    %get3A_85 = arith.constant 384 : index
    %get3A_86 = vector.load %arg4[%get3A_83, %get3A_84, %get3A_85] : memref<1x40x8192xf32, #tpu.memory_space<vmem>>, vector<1x1x128xf32>
    %get3A_87 = vector.shape_cast %get3A_86 : vector<1x1x128xf32> to vector<1x128xf32>
    %add3A_88 = arith.addf %get3A_6, %dot_general3A_82 : vector<1024x128xf32>
    %add3A_89 = vector.broadcast %get3A_87 : vector<1x128xf32> to vector<1024x128xf32>
    %add3A_90 = arith.addf %add3A_88, %add3A_89 : vector<1024x128xf32>
    %lt3A_91 = arith.cmpf olt, %add3A_90, %select_n3A_69 : vector<1024x128xf32>
    %select_n3A_92 = arith.select %lt3A_91, %add3A_90, %select_n3A_69 : vector<1024x128xi1>, vector<1024x128xf32>
    %mul3A_93 = arith.constant 64 : i32
    %mul3A_94 = arith.muli %arg1, %mul3A_93 : i32
    %add3A_95 = arith.constant 3 : i32
    %add3A_96 = arith.addi %mul3A_94, %add3A_95 : i32
    %broadcast_in_dim3A_97 = vector.broadcast %add3A_96 : i32 to vector<1024x128xi32>
    %select_n3A_98 = arith.select %lt3A_91, %broadcast_in_dim3A_97, %select_n3A_75 : vector<1024x128xi1>, vector<1024x128xi32>
    %get3A_99 = arith.constant 0 : index
    %get3A_100 = arith.constant 0 : index
    %get3A_101 = arith.constant 512 : index
    %get3A_102 = vector.load %arg4[%get3A_99, %get3A_100, %get3A_101] : memref<1x40x8192xf32, #tpu.memory_space<vmem>>, vector<1x32x128xf32>
    %get3A_103 = vector.shape_cast %get3A_102 : vector<1x32x128xf32> to vector<32x128xf32>
    %dot_general3A_104 = arith.constant dense<0.000000e+00> : vector<1024x128xf32>
    %dot_general3A_105 = tpu.matmul %get3A_3, %get3A_103, %dot_general3A_104 {dimension_numbers = #tpu.dot_dimension_numbers<[1], [0], [0], [1], [0, 0, 1, 1], [], []>, transpose_lhs_hint = false} : vector<1024x32xf32>, vector<32x128xf32>, vector<1024x128xf32> -> vector<1024x128xf32>
    %get3A_106 = arith.constant 0 : index
    %get3A_107 = arith.constant 33 : index
    %get3A_108 = arith.constant 512 : index
    %get3A_109 = vector.load %arg4[%get3A_106, %get3A_107, %get3A_108] : memref<1x40x8192xf32, #tpu.memory_space<vmem>>, vector<1x1x128xf32>
    %get3A_110 = vector.shape_cast %get3A_109 : vector<1x1x128xf32> to vector<1x128xf32>
    %add3A_111 = arith.addf %get3A_6, %dot_general3A_105 : vector<1024x128xf32>
    %add3A_112 = vector.broadcast %get3A_110 : vector<1x128xf32> to vector<1024x128xf32>
    %add3A_113 = arith.addf %add3A_111, %add3A_112 : vector<1024x128xf32>
    %lt3A_114 = arith.cmpf olt, %add3A_113, %select_n3A_92 : vector<1024x128xf32>
    %select_n3A_115 = arith.select %lt3A_114, %add3A_113, %select_n3A_92 : vector<1024x128xi1>, vector<1024x128xf32>
    %mul3A_116 = arith.constant 64 : i32
    %mul3A_117 = arith.muli %arg1, %mul3A_116 : i32
    %add3A_118 = arith.constant 4 : i32
    %add3A_119 = arith.addi %mul3A_117, %add3A_118 : i32
    %broadcast_in_dim3A_120 = vector.broadcast %add3A_119 : i32 to vector<1024x128xi32>
    %select_n3A_121 = arith.select %lt3A_114, %broadcast_in_dim3A_120, %select_n3A_98 : vector<1024x128xi1>, vector<1024x128xi32>
    %get3A_122 = arith.constant 0 : index
    %get3A_123 = arith.constant 0 : index
    %get3A_124 = arith.constant 640 : index
    %get3A_125 = vector.load %arg4[%get3A_122, %get3A_123, %get3A_124] : memref<1x40x8192xf32, #tpu.memory_space<vmem>>, vector<1x32x128xf32>
    %get3A_126 = vector.shape_cast %get3A_125 : vector<1x32x128xf32> to vector<32x128xf32>
    %dot_general3A_127 = arith.constant dense<0.000000e+00> : vector<1024x128xf32>
    %dot_general3A_128 = tpu.matmul %get3A_3, %get3A_126, %dot_general3A_127 {dimension_numbers = #tpu.dot_dimension_numbers<[1], [0], [0], [1], [0, 0, 1, 1], [], []>, transpose_lhs_hint = false} : vector<1024x32xf32>, vector<32x128xf32>, vector<1024x128xf32> -> vector<1024x128xf32>
    %get3A_129 = arith.constant 0 : index
    %get3A_130 = arith.constant 33 : index
    %get3A_131 = arith.constant 640 : index
    %get3A_132 = vector.load %arg4[%get3A_129, %get3A_130, %get3A_131] : memref<1x40x8192xf32, #tpu.memory_space<vmem>>, vector<1x1x128xf32>
    %get3A_133 = vector.shape_cast %get3A_132 : vector<1x1x128xf32> to vector<1x128xf32>
    %add3A_134 = arith.addf %get3A_6, %dot_general3A_128 : vector<1024x128xf32>
    %add3A_135 = vector.broadcast %get3A_133 : vector<1x128xf32> to vector<1024x128xf32>
    %add3A_136 = arith.addf %add3A_134, %add3A_135 : vector<1024x128xf32>
    %lt3A_137 = arith.cmpf olt, %add3A_136, %select_n3A_115 : vector<1024x128xf32>
    %select_n3A_138 = arith.select %lt3A_137, %add3A_136, %select_n3A_115 : vector<1024x128xi1>, vector<1024x128xf32>
    %mul3A_139 = arith.constant 64 : i32
    %mul3A_140 = arith.muli %arg1, %mul3A_139 : i32
    %add3A_141 = arith.constant 5 : i32
    %add3A_142 = arith.addi %mul3A_140, %add3A_141 : i32
    %broadcast_in_dim3A_143 = vector.broadcast %add3A_142 : i32 to vector<1024x128xi32>
    %select_n3A_144 = arith.select %lt3A_137, %broadcast_in_dim3A_143, %select_n3A_121 : vector<1024x128xi1>, vector<1024x128xi32>
    %get3A_145 = arith.constant 0 : index
    %get3A_146 = arith.constant 0 : index
    %get3A_147 = arith.constant 768 : index
    %get3A_148 = vector.load %arg4[%get3A_145, %get3A_146, %get3A_147] : memref<1x40x8192xf32, #tpu.memory_space<vmem>>, vector<1x32x128xf32>
    %get3A_149 = vector.shape_cast %get3A_148 : vector<1x32x128xf32> to vector<32x128xf32>
    %dot_general3A_150 = arith.constant dense<0.000000e+00> : vector<1024x128xf32>
    %dot_general3A_151 = tpu.matmul %get3A_3, %get3A_149, %dot_general3A_150 {dimension_numbers = #tpu.dot_dimension_numbers<[1], [0], [0], [1], [0, 0, 1, 1], [], []>, transpose_lhs_hint = false} : vector<1024x32xf32>, vector<32x128xf32>, vector<1024x128xf32> -> vector<1024x128xf32>
    %get3A_152 = arith.constant 0 : index
    %get3A_153 = arith.constant 33 : index
    %get3A_154 = arith.constant 768 : index
    %get3A_155 = vector.load %arg4[%get3A_152, %get3A_153, %get3A_154] : memref<1x40x8192xf32, #tpu.memory_space<vmem>>, vector<1x1x128xf32>
    %get3A_156 = vector.shape_cast %get3A_155 : vector<1x1x128xf32> to vector<1x128xf32>
    %add3A_157 = arith.addf %get3A_6, %dot_general3A_151 : vector<1024x128xf32>
    %add3A_158 = vector.broadcast %get3A_156 : vector<1x128xf32> to vector<1024x128xf32>
    %add3A_159 = arith.addf %add3A_157, %add3A_158 : vector<1024x128xf32>
    %lt3A_160 = arith.cmpf olt, %add3A_159, %select_n3A_138 : vector<1024x128xf32>
    %select_n3A_161 = arith.select %lt3A_160, %add3A_159, %select_n3A_138 : vector<1024x128xi1>, vector<1024x128xf32>
    %mul3A_162 = arith.constant 64 : i32
    %mul3A_163 = arith.muli %arg1, %mul3A_162 : i32
    %add3A_164 = arith.constant 6 : i32
    %add3A_165 = arith.addi %mul3A_163, %add3A_164 : i32
    %broadcast_in_dim3A_166 = vector.broadcast %add3A_165 : i32 to vector<1024x128xi32>
    %select_n3A_167 = arith.select %lt3A_160, %broadcast_in_dim3A_166, %select_n3A_144 : vector<1024x128xi1>, vector<1024x128xi32>
    %get3A_168 = arith.constant 0 : index
    %get3A_169 = arith.constant 0 : index
    %get3A_170 = arith.constant 896 : index
    %get3A_171 = vector.load %arg4[%get3A_168, %get3A_169, %get3A_170] : memref<1x40x8192xf32, #tpu.memory_space<vmem>>, vector<1x32x128xf32>
    %get3A_172 = vector.shape_cast %get3A_171 : vector<1x32x128xf32> to vector<32x128xf32>
    %dot_general3A_173 = arith.constant dense<0.000000e+00> : vector<1024x128xf32>
    %dot_general3A_174 = tpu.matmul %get3A_3, %get3A_172, %dot_general3A_173 {dimension_numbers = #tpu.dot_dimension_numbers<[1], [0], [0], [1], [0, 0, 1, 1], [], []>, transpose_lhs_hint = false} : vector<1024x32xf32>, vector<32x128xf32>, vector<1024x128xf32> -> vector<1024x128xf32>
    %get3A_175 = arith.constant 0 : index
    %get3A_176 = arith.constant 33 : index
    %get3A_177 = arith.constant 896 : index
    %get3A_178 = vector.load %arg4[%get3A_175, %get3A_176, %get3A_177] : memref<1x40x8192xf32, #tpu.memory_space<vmem>>, vector<1x1x128xf32>
    %get3A_179 = vector.shape_cast %get3A_178 : vector<1x1x128xf32> to vector<1x128xf32>
    %add3A_180 = arith.addf %get3A_6, %dot_general3A_174 : vector<1024x128xf32>
    %add3A_181 = vector.broadcast %get3A_179 : vector<1x128xf32> to vector<1024x128xf32>
    %add3A_182 = arith.addf %add3A_180, %add3A_181 : vector<1024x128xf32>
    %lt3A_183 = arith.cmpf olt, %add3A_182, %select_n3A_161 : vector<1024x128xf32>
    %select_n3A_184 = arith.select %lt3A_183, %add3A_182, %select_n3A_161 : vector<1024x128xi1>, vector<1024x128xf32>
    %mul3A_185 = arith.constant 64 : i32
    %mul3A_186 = arith.muli %arg1, %mul3A_185 : i32
    %add3A_187 = arith.constant 7 : i32
    %add3A_188 = arith.addi %mul3A_186, %add3A_187 : i32
    %broadcast_in_dim3A_189 = vector.broadcast %add3A_188 : i32 to vector<1024x128xi32>
    %select_n3A_190 = arith.select %lt3A_183, %broadcast_in_dim3A_189, %select_n3A_167 : vector<1024x128xi1>, vector<1024x128xi32>
    %get3A_191 = arith.constant 0 : index
    %get3A_192 = arith.constant 0 : index
    %get3A_193 = arith.constant 1024 : index
    %get3A_194 = vector.load %arg4[%get3A_191, %get3A_192, %get3A_193] : memref<1x40x8192xf32, #tpu.memory_space<vmem>>, vector<1x32x128xf32>
    %get3A_195 = vector.shape_cast %get3A_194 : vector<1x32x128xf32> to vector<32x128xf32>
    %dot_general3A_196 = arith.constant dense<0.000000e+00> : vector<1024x128xf32>
    %dot_general3A_197 = tpu.matmul %get3A_3, %get3A_195, %dot_general3A_196 {dimension_numbers = #tpu.dot_dimension_numbers<[1], [0], [0], [1], [0, 0, 1, 1], [], []>, transpose_lhs_hint = false} : vector<1024x32xf32>, vector<32x128xf32>, vector<1024x128xf32> -> vector<1024x128xf32>
    %get3A_198 = arith.constant 0 : index
    %get3A_199 = arith.constant 33 : index
    %get3A_200 = arith.constant 1024 : index
    %get3A_201 = vector.load %arg4[%get3A_198, %get3A_199, %get3A_200] : memref<1x40x8192xf32, #tpu.memory_space<vmem>>, vector<1x1x128xf32>
    %get3A_202 = vector.shape_cast %get3A_201 : vector<1x1x128xf32> to vector<1x128xf32>
    %add3A_203 = arith.addf %get3A_6, %dot_general3A_197 : vector<1024x128xf32>
    %add3A_204 = vector.broadcast %get3A_202 : vector<1x128xf32> to vector<1024x128xf32>
    %add3A_205 = arith.addf %add3A_203, %add3A_204 : vector<1024x128xf32>
    %lt3A_206 = arith.cmpf olt, %add3A_205, %select_n3A_184 : vector<1024x128xf32>
    %select_n3A_207 = arith.select %lt3A_206, %add3A_205, %select_n3A_184 : vector<1024x128xi1>, vector<1024x128xf32>
    %mul3A_208 = arith.constant 64 : i32
    %mul3A_209 = arith.muli %arg1, %mul3A_208 : i32
    %add3A_210 = arith.constant 8 : i32
    %add3A_211 = arith.addi %mul3A_209, %add3A_210 : i32
    %broadcast_in_dim3A_212 = vector.broadcast %add3A_211 : i32 to vector<1024x128xi32>
    %select_n3A_213 = arith.select %lt3A_206, %broadcast_in_dim3A_212, %select_n3A_190 : vector<1024x128xi1>, vector<1024x128xi32>
    %get3A_214 = arith.constant 0 : index
    %get3A_215 = arith.constant 0 : index
    %get3A_216 = arith.constant 1152 : index
    %get3A_217 = vector.load %arg4[%get3A_214, %get3A_215, %get3A_216] : memref<1x40x8192xf32, #tpu.memory_space<vmem>>, vector<1x32x128xf32>
    %get3A_218 = vector.shape_cast %get3A_217 : vector<1x32x128xf32> to vector<32x128xf32>
    %dot_general3A_219 = arith.constant dense<0.000000e+00> : vector<1024x128xf32>
    %dot_general3A_220 = tpu.matmul %get3A_3, %get3A_218, %dot_general3A_219 {dimension_numbers = #tpu.dot_dimension_numbers<[1], [0], [0], [1], [0, 0, 1, 1], [], []>, transpose_lhs_hint = false} : vector<1024x32xf32>, vector<32x128xf32>, vector<1024x128xf32> -> vector<1024x128xf32>
    %get3A_221 = arith.constant 0 : index
    %get3A_222 = arith.constant 33 : index
    %get3A_223 = arith.constant 1152 : index
    %get3A_224 = vector.load %arg4[%get3A_221, %get3A_222, %get3A_223] : memref<1x40x8192xf32, #tpu.memory_space<vmem>>, vector<1x1x128xf32>
    %get3A_225 = vector.shape_cast %get3A_224 : vector<1x1x128xf32> to vector<1x128xf32>
    %add3A_226 = arith.addf %get3A_6, %dot_general3A_220 : vector<1024x128xf32>
    %add3A_227 = vector.broadcast %get3A_225 : vector<1x128xf32> to vector<1024x128xf32>
    %add3A_228 = arith.addf %add3A_226, %add3A_227 : vector<1024x128xf32>
    %lt3A_229 = arith.cmpf olt, %add3A_228, %select_n3A_207 : vector<1024x128xf32>
    %select_n3A_230 = arith.select %lt3A_229, %add3A_228, %select_n3A_207 : vector<1024x128xi1>, vector<1024x128xf32>
    %mul3A_231 = arith.constant 64 : i32
    %mul3A_232 = arith.muli %arg1, %mul3A_231 : i32
    %add3A_233 = arith.constant 9 : i32
    %add3A_234 = arith.addi %mul3A_232, %add3A_233 : i32
    %broadcast_in_dim3A_235 = vector.broadcast %add3A_234 : i32 to vector<1024x128xi32>
    %select_n3A_236 = arith.select %lt3A_229, %broadcast_in_dim3A_235, %select_n3A_213 : vector<1024x128xi1>, vector<1024x128xi32>
    %get3A_237 = arith.constant 0 : index
    %get3A_238 = arith.constant 0 : index
    %get3A_239 = arith.constant 1280 : index
    %get3A_240 = vector.load %arg4[%get3A_237, %get3A_238, %get3A_239] : memref<1x40x8192xf32, #tpu.memory_space<vmem>>, vector<1x32x128xf32>
    %get3A_241 = vector.shape_cast %get3A_240 : vector<1x32x128xf32> to vector<32x128xf32>
    %dot_general3A_242 = arith.constant dense<0.000000e+00> : vector<1024x128xf32>
    %dot_general3A_243 = tpu.matmul %get3A_3, %get3A_241, %dot_general3A_242 {dimension_numbers = #tpu.dot_dimension_numbers<[1], [0], [0], [1], [0, 0, 1, 1], [], []>, transpose_lhs_hint = false} : vector<1024x32xf32>, vector<32x128xf32>, vector<1024x128xf32> -> vector<1024x128xf32>
    %get3A_244 = arith.constant 0 : index
    %get3A_245 = arith.constant 33 : index
    %get3A_246 = arith.constant 1280 : index
    %get3A_247 = vector.load %arg4[%get3A_244, %get3A_245, %get3A_246] : memref<1x40x8192xf32, #tpu.memory_space<vmem>>, vector<1x1x128xf32>
    %get3A_248 = vector.shape_cast %get3A_247 : vector<1x1x128xf32> to vector<1x128xf32>
    %add3A_249 = arith.addf %get3A_6, %dot_general3A_243 : vector<1024x128xf32>
    %add3A_250 = vector.broadcast %get3A_248 : vector<1x128xf32> to vector<1024x128xf32>
    %add3A_251 = arith.addf %add3A_249, %add3A_250 : vector<1024x128xf32>
    %lt3A_252 = arith.cmpf olt, %add3A_251, %select_n3A_230 : vector<1024x128xf32>
    %select_n3A_253 = arith.select %lt3A_252, %add3A_251, %select_n3A_230 : vector<1024x128xi1>, vector<1024x128xf32>
    %mul3A_254 = arith.constant 64 : i32
    %mul3A_255 = arith.muli %arg1, %mul3A_254 : i32
    %add3A_256 = arith.constant 10 : i32
    %add3A_257 = arith.addi %mul3A_255, %add3A_256 : i32
    %broadcast_in_dim3A_258 = vector.broadcast %add3A_257 : i32 to vector<1024x128xi32>
    %select_n3A_259 = arith.select %lt3A_252, %broadcast_in_dim3A_258, %select_n3A_236 : vector<1024x128xi1>, vector<1024x128xi32>
    %get3A_260 = arith.constant 0 : index
    %get3A_261 = arith.constant 0 : index
    %get3A_262 = arith.constant 1408 : index
    %get3A_263 = vector.load %arg4[%get3A_260, %get3A_261, %get3A_262] : memref<1x40x8192xf32, #tpu.memory_space<vmem>>, vector<1x32x128xf32>
    %get3A_264 = vector.shape_cast %get3A_263 : vector<1x32x128xf32> to vector<32x128xf32>
    %dot_general3A_265 = arith.constant dense<0.000000e+00> : vector<1024x128xf32>
    %dot_general3A_266 = tpu.matmul %get3A_3, %get3A_264, %dot_general3A_265 {dimension_numbers = #tpu.dot_dimension_numbers<[1], [0], [0], [1], [0, 0, 1, 1], [], []>, transpose_lhs_hint = false} : vector<1024x32xf32>, vector<32x128xf32>, vector<1024x128xf32> -> vector<1024x128xf32>
    %get3A_267 = arith.constant 0 : index
    %get3A_268 = arith.constant 33 : index
    %get3A_269 = arith.constant 1408 : index
    %get3A_270 = vector.load %arg4[%get3A_267, %get3A_268, %get3A_269] : memref<1x40x8192xf32, #tpu.memory_space<vmem>>, vector<1x1x128xf32>
    %get3A_271 = vector.shape_cast %get3A_270 : vector<1x1x128xf32> to vector<1x128xf32>
    %add3A_272 = arith.addf %get3A_6, %dot_general3A_266 : vector<1024x128xf32>
    %add3A_273 = vector.broadcast %get3A_271 : vector<1x128xf32> to vector<1024x128xf32>
    %add3A_274 = arith.addf %add3A_272, %add3A_273 : vector<1024x128xf32>
    %lt3A_275 = arith.cmpf olt, %add3A_274, %select_n3A_253 : vector<1024x128xf32>
    %select_n3A_276 = arith.select %lt3A_275, %add3A_274, %select_n3A_253 : vector<1024x128xi1>, vector<1024x128xf32>
    %mul3A_277 = arith.constant 64 : i32
    %mul3A_278 = arith.muli %arg1, %mul3A_277 : i32
    %add3A_279 = arith.constant 11 : i32
    %add3A_280 = arith.addi %mul3A_278, %add3A_279 : i32
    %broadcast_in_dim3A_281 = vector.broadcast %add3A_280 : i32 to vector<1024x128xi32>
    %select_n3A_282 = arith.select %lt3A_275, %broadcast_in_dim3A_281, %select_n3A_259 : vector<1024x128xi1>, vector<1024x128xi32>
    %get3A_283 = arith.constant 0 : index
    %get3A_284 = arith.constant 0 : index
    %get3A_285 = arith.constant 1536 : index
    %get3A_286 = vector.load %arg4[%get3A_283, %get3A_284, %get3A_285] : memref<1x40x8192xf32, #tpu.memory_space<vmem>>, vector<1x32x128xf32>
    %get3A_287 = vector.shape_cast %get3A_286 : vector<1x32x128xf32> to vector<32x128xf32>
    %dot_general3A_288 = arith.constant dense<0.000000e+00> : vector<1024x128xf32>
    %dot_general3A_289 = tpu.matmul %get3A_3, %get3A_287, %dot_general3A_288 {dimension_numbers = #tpu.dot_dimension_numbers<[1], [0], [0], [1], [0, 0, 1, 1], [], []>, transpose_lhs_hint = false} : vector<1024x32xf32>, vector<32x128xf32>, vector<1024x128xf32> -> vector<1024x128xf32>
    %get3A_290 = arith.constant 0 : index
    %get3A_291 = arith.constant 33 : index
    %get3A_292 = arith.constant 1536 : index
    %get3A_293 = vector.load %arg4[%get3A_290, %get3A_291, %get3A_292] : memref<1x40x8192xf32, #tpu.memory_space<vmem>>, vector<1x1x128xf32>
    %get3A_294 = vector.shape_cast %get3A_293 : vector<1x1x128xf32> to vector<1x128xf32>
    %add3A_295 = arith.addf %get3A_6, %dot_general3A_289 : vector<1024x128xf32>
    %add3A_296 = vector.broadcast %get3A_294 : vector<1x128xf32> to vector<1024x128xf32>
    %add3A_297 = arith.addf %add3A_295, %add3A_296 : vector<1024x128xf32>
    %lt3A_298 = arith.cmpf olt, %add3A_297, %select_n3A_276 : vector<1024x128xf32>
    %select_n3A_299 = arith.select %lt3A_298, %add3A_297, %select_n3A_276 : vector<1024x128xi1>, vector<1024x128xf32>
    %mul3A_300 = arith.constant 64 : i32
    %mul3A_301 = arith.muli %arg1, %mul3A_300 : i32
    %add3A_302 = arith.constant 12 : i32
    %add3A_303 = arith.addi %mul3A_301, %add3A_302 : i32
    %broadcast_in_dim3A_304 = vector.broadcast %add3A_303 : i32 to vector<1024x128xi32>
    %select_n3A_305 = arith.select %lt3A_298, %broadcast_in_dim3A_304, %select_n3A_282 : vector<1024x128xi1>, vector<1024x128xi32>
    %get3A_306 = arith.constant 0 : index
    %get3A_307 = arith.constant 0 : index
    %get3A_308 = arith.constant 1664 : index
    %get3A_309 = vector.load %arg4[%get3A_306, %get3A_307, %get3A_308] : memref<1x40x8192xf32, #tpu.memory_space<vmem>>, vector<1x32x128xf32>
    %get3A_310 = vector.shape_cast %get3A_309 : vector<1x32x128xf32> to vector<32x128xf32>
    %dot_general3A_311 = arith.constant dense<0.000000e+00> : vector<1024x128xf32>
    %dot_general3A_312 = tpu.matmul %get3A_3, %get3A_310, %dot_general3A_311 {dimension_numbers = #tpu.dot_dimension_numbers<[1], [0], [0], [1], [0, 0, 1, 1], [], []>, transpose_lhs_hint = false} : vector<1024x32xf32>, vector<32x128xf32>, vector<1024x128xf32> -> vector<1024x128xf32>
    %get3A_313 = arith.constant 0 : index
    %get3A_314 = arith.constant 33 : index
    %get3A_315 = arith.constant 1664 : index
    %get3A_316 = vector.load %arg4[%get3A_313, %get3A_314, %get3A_315] : memref<1x40x8192xf32, #tpu.memory_space<vmem>>, vector<1x1x128xf32>
    %get3A_317 = vector.shape_cast %get3A_316 : vector<1x1x128xf32> to vector<1x128xf32>
    %add3A_318 = arith.addf %get3A_6, %dot_general3A_312 : vector<1024x128xf32>
    %add3A_319 = vector.broadcast %get3A_317 : vector<1x128xf32> to vector<1024x128xf32>
    %add3A_320 = arith.addf %add3A_318, %add3A_319 : vector<1024x128xf32>
    %lt3A_321 = arith.cmpf olt, %add3A_320, %select_n3A_299 : vector<1024x128xf32>
    %select_n3A_322 = arith.select %lt3A_321, %add3A_320, %select_n3A_299 : vector<1024x128xi1>, vector<1024x128xf32>
    %mul3A_323 = arith.constant 64 : i32
    %mul3A_324 = arith.muli %arg1, %mul3A_323 : i32
    %add3A_325 = arith.constant 13 : i32
    %add3A_326 = arith.addi %mul3A_324, %add3A_325 : i32
    %broadcast_in_dim3A_327 = vector.broadcast %add3A_326 : i32 to vector<1024x128xi32>
    %select_n3A_328 = arith.select %lt3A_321, %broadcast_in_dim3A_327, %select_n3A_305 : vector<1024x128xi1>, vector<1024x128xi32>
    %get3A_329 = arith.constant 0 : index
    %get3A_330 = arith.constant 0 : index
    %get3A_331 = arith.constant 1792 : index
    %get3A_332 = vector.load %arg4[%get3A_329, %get3A_330, %get3A_331] : memref<1x40x8192xf32, #tpu.memory_space<vmem>>, vector<1x32x128xf32>
    %get3A_333 = vector.shape_cast %get3A_332 : vector<1x32x128xf32> to vector<32x128xf32>
    %dot_general3A_334 = arith.constant dense<0.000000e+00> : vector<1024x128xf32>
    %dot_general3A_335 = tpu.matmul %get3A_3, %get3A_333, %dot_general3A_334 {dimension_numbers = #tpu.dot_dimension_numbers<[1], [0], [0], [1], [0, 0, 1, 1], [], []>, transpose_lhs_hint = false} : vector<1024x32xf32>, vector<32x128xf32>, vector<1024x128xf32> -> vector<1024x128xf32>
    %get3A_336 = arith.constant 0 : index
    %get3A_337 = arith.constant 33 : index
    %get3A_338 = arith.constant 1792 : index
    %get3A_339 = vector.load %arg4[%get3A_336, %get3A_337, %get3A_338] : memref<1x40x8192xf32, #tpu.memory_space<vmem>>, vector<1x1x128xf32>
    %get3A_340 = vector.shape_cast %get3A_339 : vector<1x1x128xf32> to vector<1x128xf32>
    %add3A_341 = arith.addf %get3A_6, %dot_general3A_335 : vector<1024x128xf32>
    %add3A_342 = vector.broadcast %get3A_340 : vector<1x128xf32> to vector<1024x128xf32>
    %add3A_343 = arith.addf %add3A_341, %add3A_342 : vector<1024x128xf32>
    %lt3A_344 = arith.cmpf olt, %add3A_343, %select_n3A_322 : vector<1024x128xf32>
    %select_n3A_345 = arith.select %lt3A_344, %add3A_343, %select_n3A_322 : vector<1024x128xi1>, vector<1024x128xf32>
    %mul3A_346 = arith.constant 64 : i32
    %mul3A_347 = arith.muli %arg1, %mul3A_346 : i32
    %add3A_348 = arith.constant 14 : i32
    %add3A_349 = arith.addi %mul3A_347, %add3A_348 : i32
    %broadcast_in_dim3A_350 = vector.broadcast %add3A_349 : i32 to vector<1024x128xi32>
    %select_n3A_351 = arith.select %lt3A_344, %broadcast_in_dim3A_350, %select_n3A_328 : vector<1024x128xi1>, vector<1024x128xi32>
    %get3A_352 = arith.constant 0 : index
    %get3A_353 = arith.constant 0 : index
    %get3A_354 = arith.constant 1920 : index
    %get3A_355 = vector.load %arg4[%get3A_352, %get3A_353, %get3A_354] : memref<1x40x8192xf32, #tpu.memory_space<vmem>>, vector<1x32x128xf32>
    %get3A_356 = vector.shape_cast %get3A_355 : vector<1x32x128xf32> to vector<32x128xf32>
    %dot_general3A_357 = arith.constant dense<0.000000e+00> : vector<1024x128xf32>
    %dot_general3A_358 = tpu.matmul %get3A_3, %get3A_356, %dot_general3A_357 {dimension_numbers = #tpu.dot_dimension_numbers<[1], [0], [0], [1], [0, 0, 1, 1], [], []>, transpose_lhs_hint = false} : vector<1024x32xf32>, vector<32x128xf32>, vector<1024x128xf32> -> vector<1024x128xf32>
    %get3A_359 = arith.constant 0 : index
    %get3A_360 = arith.constant 33 : index
    %get3A_361 = arith.constant 1920 : index
    %get3A_362 = vector.load %arg4[%get3A_359, %get3A_360, %get3A_361] : memref<1x40x8192xf32, #tpu.memory_space<vmem>>, vector<1x1x128xf32>
    %get3A_363 = vector.shape_cast %get3A_362 : vector<1x1x128xf32> to vector<1x128xf32>
    %add3A_364 = arith.addf %get3A_6, %dot_general3A_358 : vector<1024x128xf32>
    %add3A_365 = vector.broadcast %get3A_363 : vector<1x128xf32> to vector<1024x128xf32>
    %add3A_366 = arith.addf %add3A_364, %add3A_365 : vector<1024x128xf32>
    %lt3A_367 = arith.cmpf olt, %add3A_366, %select_n3A_345 : vector<1024x128xf32>
    %select_n3A_368 = arith.select %lt3A_367, %add3A_366, %select_n3A_345 : vector<1024x128xi1>, vector<1024x128xf32>
    %mul3A_369 = arith.constant 64 : i32
    %mul3A_370 = arith.muli %arg1, %mul3A_369 : i32
    %add3A_371 = arith.constant 15 : i32
    %add3A_372 = arith.addi %mul3A_370, %add3A_371 : i32
    %broadcast_in_dim3A_373 = vector.broadcast %add3A_372 : i32 to vector<1024x128xi32>
    %select_n3A_374 = arith.select %lt3A_367, %broadcast_in_dim3A_373, %select_n3A_351 : vector<1024x128xi1>, vector<1024x128xi32>
    %get3A_375 = arith.constant 0 : index
    %get3A_376 = arith.constant 0 : index
    %get3A_377 = arith.constant 2048 : index
    %get3A_378 = vector.load %arg4[%get3A_375, %get3A_376, %get3A_377] : memref<1x40x8192xf32, #tpu.memory_space<vmem>>, vector<1x32x128xf32>
    %get3A_379 = vector.shape_cast %get3A_378 : vector<1x32x128xf32> to vector<32x128xf32>
    %dot_general3A_380 = arith.constant dense<0.000000e+00> : vector<1024x128xf32>
    %dot_general3A_381 = tpu.matmul %get3A_3, %get3A_379, %dot_general3A_380 {dimension_numbers = #tpu.dot_dimension_numbers<[1], [0], [0], [1], [0, 0, 1, 1], [], []>, transpose_lhs_hint = false} : vector<1024x32xf32>, vector<32x128xf32>, vector<1024x128xf32> -> vector<1024x128xf32>
    %get3A_382 = arith.constant 0 : index
    %get3A_383 = arith.constant 33 : index
    %get3A_384 = arith.constant 2048 : index
    %get3A_385 = vector.load %arg4[%get3A_382, %get3A_383, %get3A_384] : memref<1x40x8192xf32, #tpu.memory_space<vmem>>, vector<1x1x128xf32>
    %get3A_386 = vector.shape_cast %get3A_385 : vector<1x1x128xf32> to vector<1x128xf32>
    %add3A_387 = arith.addf %get3A_6, %dot_general3A_381 : vector<1024x128xf32>
    %add3A_388 = vector.broadcast %get3A_386 : vector<1x128xf32> to vector<1024x128xf32>
    %add3A_389 = arith.addf %add3A_387, %add3A_388 : vector<1024x128xf32>
    %lt3A_390 = arith.cmpf olt, %add3A_389, %select_n3A_368 : vector<1024x128xf32>
    %select_n3A_391 = arith.select %lt3A_390, %add3A_389, %select_n3A_368 : vector<1024x128xi1>, vector<1024x128xf32>
    %mul3A_392 = arith.constant 64 : i32
    %mul3A_393 = arith.muli %arg1, %mul3A_392 : i32
    %add3A_394 = arith.constant 16 : i32
    %add3A_395 = arith.addi %mul3A_393, %add3A_394 : i32
    %broadcast_in_dim3A_396 = vector.broadcast %add3A_395 : i32 to vector<1024x128xi32>
    %select_n3A_397 = arith.select %lt3A_390, %broadcast_in_dim3A_396, %select_n3A_374 : vector<1024x128xi1>, vector<1024x128xi32>
    %get3A_398 = arith.constant 0 : index
    %get3A_399 = arith.constant 0 : index
    %get3A_400 = arith.constant 2176 : index
    %get3A_401 = vector.load %arg4[%get3A_398, %get3A_399, %get3A_400] : memref<1x40x8192xf32, #tpu.memory_space<vmem>>, vector<1x32x128xf32>
    %get3A_402 = vector.shape_cast %get3A_401 : vector<1x32x128xf32> to vector<32x128xf32>
    %dot_general3A_403 = arith.constant dense<0.000000e+00> : vector<1024x128xf32>
    %dot_general3A_404 = tpu.matmul %get3A_3, %get3A_402, %dot_general3A_403 {dimension_numbers = #tpu.dot_dimension_numbers<[1], [0], [0], [1], [0, 0, 1, 1], [], []>, transpose_lhs_hint = false} : vector<1024x32xf32>, vector<32x128xf32>, vector<1024x128xf32> -> vector<1024x128xf32>
    %get3A_405 = arith.constant 0 : index
    %get3A_406 = arith.constant 33 : index
    %get3A_407 = arith.constant 2176 : index
    %get3A_408 = vector.load %arg4[%get3A_405, %get3A_406, %get3A_407] : memref<1x40x8192xf32, #tpu.memory_space<vmem>>, vector<1x1x128xf32>
    %get3A_409 = vector.shape_cast %get3A_408 : vector<1x1x128xf32> to vector<1x128xf32>
    %add3A_410 = arith.addf %get3A_6, %dot_general3A_404 : vector<1024x128xf32>
    %add3A_411 = vector.broadcast %get3A_409 : vector<1x128xf32> to vector<1024x128xf32>
    %add3A_412 = arith.addf %add3A_410, %add3A_411 : vector<1024x128xf32>
    %lt3A_413 = arith.cmpf olt, %add3A_412, %select_n3A_391 : vector<1024x128xf32>
    %select_n3A_414 = arith.select %lt3A_413, %add3A_412, %select_n3A_391 : vector<1024x128xi1>, vector<1024x128xf32>
    %mul3A_415 = arith.constant 64 : i32
    %mul3A_416 = arith.muli %arg1, %mul3A_415 : i32
    %add3A_417 = arith.constant 17 : i32
    %add3A_418 = arith.addi %mul3A_416, %add3A_417 : i32
    %broadcast_in_dim3A_419 = vector.broadcast %add3A_418 : i32 to vector<1024x128xi32>
    %select_n3A_420 = arith.select %lt3A_413, %broadcast_in_dim3A_419, %select_n3A_397 : vector<1024x128xi1>, vector<1024x128xi32>
    %get3A_421 = arith.constant 0 : index
    %get3A_422 = arith.constant 0 : index
    %get3A_423 = arith.constant 2304 : index
    %get3A_424 = vector.load %arg4[%get3A_421, %get3A_422, %get3A_423] : memref<1x40x8192xf32, #tpu.memory_space<vmem>>, vector<1x32x128xf32>
    %get3A_425 = vector.shape_cast %get3A_424 : vector<1x32x128xf32> to vector<32x128xf32>
    %dot_general3A_426 = arith.constant dense<0.000000e+00> : vector<1024x128xf32>
    %dot_general3A_427 = tpu.matmul %get3A_3, %get3A_425, %dot_general3A_426 {dimension_numbers = #tpu.dot_dimension_numbers<[1], [0], [0], [1], [0, 0, 1, 1], [], []>, transpose_lhs_hint = false} : vector<1024x32xf32>, vector<32x128xf32>, vector<1024x128xf32> -> vector<1024x128xf32>
    %get3A_428 = arith.constant 0 : index
    %get3A_429 = arith.constant 33 : index
    %get3A_430 = arith.constant 2304 : index
    %get3A_431 = vector.load %arg4[%get3A_428, %get3A_429, %get3A_430] : memref<1x40x8192xf32, #tpu.memory_space<vmem>>, vector<1x1x128xf32>
    %get3A_432 = vector.shape_cast %get3A_431 : vector<1x1x128xf32> to vector<1x128xf32>
    %add3A_433 = arith.addf %get3A_6, %dot_general3A_427 : vector<1024x128xf32>
    %add3A_434 = vector.broadcast %get3A_432 : vector<1x128xf32> to vector<1024x128xf32>
    %add3A_435 = arith.addf %add3A_433, %add3A_434 : vector<1024x128xf32>
    %lt3A_436 = arith.cmpf olt, %add3A_435, %select_n3A_414 : vector<1024x128xf32>
    %select_n3A_437 = arith.select %lt3A_436, %add3A_435, %select_n3A_414 : vector<1024x128xi1>, vector<1024x128xf32>
    %mul3A_438 = arith.constant 64 : i32
    %mul3A_439 = arith.muli %arg1, %mul3A_438 : i32
    %add3A_440 = arith.constant 18 : i32
    %add3A_441 = arith.addi %mul3A_439, %add3A_440 : i32
    %broadcast_in_dim3A_442 = vector.broadcast %add3A_441 : i32 to vector<1024x128xi32>
    %select_n3A_443 = arith.select %lt3A_436, %broadcast_in_dim3A_442, %select_n3A_420 : vector<1024x128xi1>, vector<1024x128xi32>
    %get3A_444 = arith.constant 0 : index
    %get3A_445 = arith.constant 0 : index
    %get3A_446 = arith.constant 2432 : index
    %get3A_447 = vector.load %arg4[%get3A_444, %get3A_445, %get3A_446] : memref<1x40x8192xf32, #tpu.memory_space<vmem>>, vector<1x32x128xf32>
    %get3A_448 = vector.shape_cast %get3A_447 : vector<1x32x128xf32> to vector<32x128xf32>
    %dot_general3A_449 = arith.constant dense<0.000000e+00> : vector<1024x128xf32>
    %dot_general3A_450 = tpu.matmul %get3A_3, %get3A_448, %dot_general3A_449 {dimension_numbers = #tpu.dot_dimension_numbers<[1], [0], [0], [1], [0, 0, 1, 1], [], []>, transpose_lhs_hint = false} : vector<1024x32xf32>, vector<32x128xf32>, vector<1024x128xf32> -> vector<1024x128xf32>
    %get3A_451 = arith.constant 0 : index
    %get3A_452 = arith.constant 33 : index
    %get3A_453 = arith.constant 2432 : index
    %get3A_454 = vector.load %arg4[%get3A_451, %get3A_452, %get3A_453] : memref<1x40x8192xf32, #tpu.memory_space<vmem>>, vector<1x1x128xf32>
    %get3A_455 = vector.shape_cast %get3A_454 : vector<1x1x128xf32> to vector<1x128xf32>
    %add3A_456 = arith.addf %get3A_6, %dot_general3A_450 : vector<1024x128xf32>
    %add3A_457 = vector.broadcast %get3A_455 : vector<1x128xf32> to vector<1024x128xf32>
    %add3A_458 = arith.addf %add3A_456, %add3A_457 : vector<1024x128xf32>
    %lt3A_459 = arith.cmpf olt, %add3A_458, %select_n3A_437 : vector<1024x128xf32>
    %select_n3A_460 = arith.select %lt3A_459, %add3A_458, %select_n3A_437 : vector<1024x128xi1>, vector<1024x128xf32>
    %mul3A_461 = arith.constant 64 : i32
    %mul3A_462 = arith.muli %arg1, %mul3A_461 : i32
    %add3A_463 = arith.constant 19 : i32
    %add3A_464 = arith.addi %mul3A_462, %add3A_463 : i32
    %broadcast_in_dim3A_465 = vector.broadcast %add3A_464 : i32 to vector<1024x128xi32>
    %select_n3A_466 = arith.select %lt3A_459, %broadcast_in_dim3A_465, %select_n3A_443 : vector<1024x128xi1>, vector<1024x128xi32>
    %get3A_467 = arith.constant 0 : index
    %get3A_468 = arith.constant 0 : index
    %get3A_469 = arith.constant 2560 : index
    %get3A_470 = vector.load %arg4[%get3A_467, %get3A_468, %get3A_469] : memref<1x40x8192xf32, #tpu.memory_space<vmem>>, vector<1x32x128xf32>
    %get3A_471 = vector.shape_cast %get3A_470 : vector<1x32x128xf32> to vector<32x128xf32>
    %dot_general3A_472 = arith.constant dense<0.000000e+00> : vector<1024x128xf32>
    %dot_general3A_473 = tpu.matmul %get3A_3, %get3A_471, %dot_general3A_472 {dimension_numbers = #tpu.dot_dimension_numbers<[1], [0], [0], [1], [0, 0, 1, 1], [], []>, transpose_lhs_hint = false} : vector<1024x32xf32>, vector<32x128xf32>, vector<1024x128xf32> -> vector<1024x128xf32>
    %get3A_474 = arith.constant 0 : index
    %get3A_475 = arith.constant 33 : index
    %get3A_476 = arith.constant 2560 : index
    %get3A_477 = vector.load %arg4[%get3A_474, %get3A_475, %get3A_476] : memref<1x40x8192xf32, #tpu.memory_space<vmem>>, vector<1x1x128xf32>
    %get3A_478 = vector.shape_cast %get3A_477 : vector<1x1x128xf32> to vector<1x128xf32>
    %add3A_479 = arith.addf %get3A_6, %dot_general3A_473 : vector<1024x128xf32>
    %add3A_480 = vector.broadcast %get3A_478 : vector<1x128xf32> to vector<1024x128xf32>
    %add3A_481 = arith.addf %add3A_479, %add3A_480 : vector<1024x128xf32>
    %lt3A_482 = arith.cmpf olt, %add3A_481, %select_n3A_460 : vector<1024x128xf32>
    %select_n3A_483 = arith.select %lt3A_482, %add3A_481, %select_n3A_460 : vector<1024x128xi1>, vector<1024x128xf32>
    %mul3A_484 = arith.constant 64 : i32
    %mul3A_485 = arith.muli %arg1, %mul3A_484 : i32
    %add3A_486 = arith.constant 20 : i32
    %add3A_487 = arith.addi %mul3A_485, %add3A_486 : i32
    %broadcast_in_dim3A_488 = vector.broadcast %add3A_487 : i32 to vector<1024x128xi32>
    %select_n3A_489 = arith.select %lt3A_482, %broadcast_in_dim3A_488, %select_n3A_466 : vector<1024x128xi1>, vector<1024x128xi32>
    %get3A_490 = arith.constant 0 : index
    %get3A_491 = arith.constant 0 : index
    %get3A_492 = arith.constant 2688 : index
    %get3A_493 = vector.load %arg4[%get3A_490, %get3A_491, %get3A_492] : memref<1x40x8192xf32, #tpu.memory_space<vmem>>, vector<1x32x128xf32>
    %get3A_494 = vector.shape_cast %get3A_493 : vector<1x32x128xf32> to vector<32x128xf32>
    %dot_general3A_495 = arith.constant dense<0.000000e+00> : vector<1024x128xf32>
    %dot_general3A_496 = tpu.matmul %get3A_3, %get3A_494, %dot_general3A_495 {dimension_numbers = #tpu.dot_dimension_numbers<[1], [0], [0], [1], [0, 0, 1, 1], [], []>, transpose_lhs_hint = false} : vector<1024x32xf32>, vector<32x128xf32>, vector<1024x128xf32> -> vector<1024x128xf32>
    %get3A_497 = arith.constant 0 : index
    %get3A_498 = arith.constant 33 : index
    %get3A_499 = arith.constant 2688 : index
    %get3A_500 = vector.load %arg4[%get3A_497, %get3A_498, %get3A_499] : memref<1x40x8192xf32, #tpu.memory_space<vmem>>, vector<1x1x128xf32>
    %get3A_501 = vector.shape_cast %get3A_500 : vector<1x1x128xf32> to vector<1x128xf32>
    %add3A_502 = arith.addf %get3A_6, %dot_general3A_496 : vector<1024x128xf32>
    %add3A_503 = vector.broadcast %get3A_501 : vector<1x128xf32> to vector<1024x128xf32>
    %add3A_504 = arith.addf %add3A_502, %add3A_503 : vector<1024x128xf32>
    %lt3A_505 = arith.cmpf olt, %add3A_504, %select_n3A_483 : vector<1024x128xf32>
    %select_n3A_506 = arith.select %lt3A_505, %add3A_504, %select_n3A_483 : vector<1024x128xi1>, vector<1024x128xf32>
    %mul3A_507 = arith.constant 64 : i32
    %mul3A_508 = arith.muli %arg1, %mul3A_507 : i32
    %add3A_509 = arith.constant 21 : i32
    %add3A_510 = arith.addi %mul3A_508, %add3A_509 : i32
    %broadcast_in_dim3A_511 = vector.broadcast %add3A_510 : i32 to vector<1024x128xi32>
    %select_n3A_512 = arith.select %lt3A_505, %broadcast_in_dim3A_511, %select_n3A_489 : vector<1024x128xi1>, vector<1024x128xi32>
    %get3A_513 = arith.constant 0 : index
    %get3A_514 = arith.constant 0 : index
    %get3A_515 = arith.constant 2816 : index
    %get3A_516 = vector.load %arg4[%get3A_513, %get3A_514, %get3A_515] : memref<1x40x8192xf32, #tpu.memory_space<vmem>>, vector<1x32x128xf32>
    %get3A_517 = vector.shape_cast %get3A_516 : vector<1x32x128xf32> to vector<32x128xf32>
    %dot_general3A_518 = arith.constant dense<0.000000e+00> : vector<1024x128xf32>
    %dot_general3A_519 = tpu.matmul %get3A_3, %get3A_517, %dot_general3A_518 {dimension_numbers = #tpu.dot_dimension_numbers<[1], [0], [0], [1], [0, 0, 1, 1], [], []>, transpose_lhs_hint = false} : vector<1024x32xf32>, vector<32x128xf32>, vector<1024x128xf32> -> vector<1024x128xf32>
    %get3A_520 = arith.constant 0 : index
    %get3A_521 = arith.constant 33 : index
    %get3A_522 = arith.constant 2816 : index
    %get3A_523 = vector.load %arg4[%get3A_520, %get3A_521, %get3A_522] : memref<1x40x8192xf32, #tpu.memory_space<vmem>>, vector<1x1x128xf32>
    %get3A_524 = vector.shape_cast %get3A_523 : vector<1x1x128xf32> to vector<1x128xf32>
    %add3A_525 = arith.addf %get3A_6, %dot_general3A_519 : vector<1024x128xf32>
    %add3A_526 = vector.broadcast %get3A_524 : vector<1x128xf32> to vector<1024x128xf32>
    %add3A_527 = arith.addf %add3A_525, %add3A_526 : vector<1024x128xf32>
    %lt3A_528 = arith.cmpf olt, %add3A_527, %select_n3A_506 : vector<1024x128xf32>
    %select_n3A_529 = arith.select %lt3A_528, %add3A_527, %select_n3A_506 : vector<1024x128xi1>, vector<1024x128xf32>
    %mul3A_530 = arith.constant 64 : i32
    %mul3A_531 = arith.muli %arg1, %mul3A_530 : i32
    %add3A_532 = arith.constant 22 : i32
    %add3A_533 = arith.addi %mul3A_531, %add3A_532 : i32
    %broadcast_in_dim3A_534 = vector.broadcast %add3A_533 : i32 to vector<1024x128xi32>
    %select_n3A_535 = arith.select %lt3A_528, %broadcast_in_dim3A_534, %select_n3A_512 : vector<1024x128xi1>, vector<1024x128xi32>
    %get3A_536 = arith.constant 0 : index
    %get3A_537 = arith.constant 0 : index
    %get3A_538 = arith.constant 2944 : index
    %get3A_539 = vector.load %arg4[%get3A_536, %get3A_537, %get3A_538] : memref<1x40x8192xf32, #tpu.memory_space<vmem>>, vector<1x32x128xf32>
    %get3A_540 = vector.shape_cast %get3A_539 : vector<1x32x128xf32> to vector<32x128xf32>
    %dot_general3A_541 = arith.constant dense<0.000000e+00> : vector<1024x128xf32>
    %dot_general3A_542 = tpu.matmul %get3A_3, %get3A_540, %dot_general3A_541 {dimension_numbers = #tpu.dot_dimension_numbers<[1], [0], [0], [1], [0, 0, 1, 1], [], []>, transpose_lhs_hint = false} : vector<1024x32xf32>, vector<32x128xf32>, vector<1024x128xf32> -> vector<1024x128xf32>
    %get3A_543 = arith.constant 0 : index
    %get3A_544 = arith.constant 33 : index
    %get3A_545 = arith.constant 2944 : index
    %get3A_546 = vector.load %arg4[%get3A_543, %get3A_544, %get3A_545] : memref<1x40x8192xf32, #tpu.memory_space<vmem>>, vector<1x1x128xf32>
    %get3A_547 = vector.shape_cast %get3A_546 : vector<1x1x128xf32> to vector<1x128xf32>
    %add3A_548 = arith.addf %get3A_6, %dot_general3A_542 : vector<1024x128xf32>
    %add3A_549 = vector.broadcast %get3A_547 : vector<1x128xf32> to vector<1024x128xf32>
    %add3A_550 = arith.addf %add3A_548, %add3A_549 : vector<1024x128xf32>
    %lt3A_551 = arith.cmpf olt, %add3A_550, %select_n3A_529 : vector<1024x128xf32>
    %select_n3A_552 = arith.select %lt3A_551, %add3A_550, %select_n3A_529 : vector<1024x128xi1>, vector<1024x128xf32>
    %mul3A_553 = arith.constant 64 : i32
    %mul3A_554 = arith.muli %arg1, %mul3A_553 : i32
    %add3A_555 = arith.constant 23 : i32
    %add3A_556 = arith.addi %mul3A_554, %add3A_555 : i32
    %broadcast_in_dim3A_557 = vector.broadcast %add3A_556 : i32 to vector<1024x128xi32>
    %select_n3A_558 = arith.select %lt3A_551, %broadcast_in_dim3A_557, %select_n3A_535 : vector<1024x128xi1>, vector<1024x128xi32>
    %get3A_559 = arith.constant 0 : index
    %get3A_560 = arith.constant 0 : index
    %get3A_561 = arith.constant 3072 : index
    %get3A_562 = vector.load %arg4[%get3A_559, %get3A_560, %get3A_561] : memref<1x40x8192xf32, #tpu.memory_space<vmem>>, vector<1x32x128xf32>
    %get3A_563 = vector.shape_cast %get3A_562 : vector<1x32x128xf32> to vector<32x128xf32>
    %dot_general3A_564 = arith.constant dense<0.000000e+00> : vector<1024x128xf32>
    %dot_general3A_565 = tpu.matmul %get3A_3, %get3A_563, %dot_general3A_564 {dimension_numbers = #tpu.dot_dimension_numbers<[1], [0], [0], [1], [0, 0, 1, 1], [], []>, transpose_lhs_hint = false} : vector<1024x32xf32>, vector<32x128xf32>, vector<1024x128xf32> -> vector<1024x128xf32>
    %get3A_566 = arith.constant 0 : index
    %get3A_567 = arith.constant 33 : index
    %get3A_568 = arith.constant 3072 : index
    %get3A_569 = vector.load %arg4[%get3A_566, %get3A_567, %get3A_568] : memref<1x40x8192xf32, #tpu.memory_space<vmem>>, vector<1x1x128xf32>
    %get3A_570 = vector.shape_cast %get3A_569 : vector<1x1x128xf32> to vector<1x128xf32>
    %add3A_571 = arith.addf %get3A_6, %dot_general3A_565 : vector<1024x128xf32>
    %add3A_572 = vector.broadcast %get3A_570 : vector<1x128xf32> to vector<1024x128xf32>
    %add3A_573 = arith.addf %add3A_571, %add3A_572 : vector<1024x128xf32>
    %lt3A_574 = arith.cmpf olt, %add3A_573, %select_n3A_552 : vector<1024x128xf32>
    %select_n3A_575 = arith.select %lt3A_574, %add3A_573, %select_n3A_552 : vector<1024x128xi1>, vector<1024x128xf32>
    %mul3A_576 = arith.constant 64 : i32
    %mul3A_577 = arith.muli %arg1, %mul3A_576 : i32
    %add3A_578 = arith.constant 24 : i32
    %add3A_579 = arith.addi %mul3A_577, %add3A_578 : i32
    %broadcast_in_dim3A_580 = vector.broadcast %add3A_579 : i32 to vector<1024x128xi32>
    %select_n3A_581 = arith.select %lt3A_574, %broadcast_in_dim3A_580, %select_n3A_558 : vector<1024x128xi1>, vector<1024x128xi32>
    %get3A_582 = arith.constant 0 : index
    %get3A_583 = arith.constant 0 : index
    %get3A_584 = arith.constant 3200 : index
    %get3A_585 = vector.load %arg4[%get3A_582, %get3A_583, %get3A_584] : memref<1x40x8192xf32, #tpu.memory_space<vmem>>, vector<1x32x128xf32>
    %get3A_586 = vector.shape_cast %get3A_585 : vector<1x32x128xf32> to vector<32x128xf32>
    %dot_general3A_587 = arith.constant dense<0.000000e+00> : vector<1024x128xf32>
    %dot_general3A_588 = tpu.matmul %get3A_3, %get3A_586, %dot_general3A_587 {dimension_numbers = #tpu.dot_dimension_numbers<[1], [0], [0], [1], [0, 0, 1, 1], [], []>, transpose_lhs_hint = false} : vector<1024x32xf32>, vector<32x128xf32>, vector<1024x128xf32> -> vector<1024x128xf32>
    %get3A_589 = arith.constant 0 : index
    %get3A_590 = arith.constant 33 : index
    %get3A_591 = arith.constant 3200 : index
    %get3A_592 = vector.load %arg4[%get3A_589, %get3A_590, %get3A_591] : memref<1x40x8192xf32, #tpu.memory_space<vmem>>, vector<1x1x128xf32>
    %get3A_593 = vector.shape_cast %get3A_592 : vector<1x1x128xf32> to vector<1x128xf32>
    %add3A_594 = arith.addf %get3A_6, %dot_general3A_588 : vector<1024x128xf32>
    %add3A_595 = vector.broadcast %get3A_593 : vector<1x128xf32> to vector<1024x128xf32>
    %add3A_596 = arith.addf %add3A_594, %add3A_595 : vector<1024x128xf32>
    %lt3A_597 = arith.cmpf olt, %add3A_596, %select_n3A_575 : vector<1024x128xf32>
    %select_n3A_598 = arith.select %lt3A_597, %add3A_596, %select_n3A_575 : vector<1024x128xi1>, vector<1024x128xf32>
    %mul3A_599 = arith.constant 64 : i32
    %mul3A_600 = arith.muli %arg1, %mul3A_599 : i32
    %add3A_601 = arith.constant 25 : i32
    %add3A_602 = arith.addi %mul3A_600, %add3A_601 : i32
    %broadcast_in_dim3A_603 = vector.broadcast %add3A_602 : i32 to vector<1024x128xi32>
    %select_n3A_604 = arith.select %lt3A_597, %broadcast_in_dim3A_603, %select_n3A_581 : vector<1024x128xi1>, vector<1024x128xi32>
    %get3A_605 = arith.constant 0 : index
    %get3A_606 = arith.constant 0 : index
    %get3A_607 = arith.constant 3328 : index
    %get3A_608 = vector.load %arg4[%get3A_605, %get3A_606, %get3A_607] : memref<1x40x8192xf32, #tpu.memory_space<vmem>>, vector<1x32x128xf32>
    %get3A_609 = vector.shape_cast %get3A_608 : vector<1x32x128xf32> to vector<32x128xf32>
    %dot_general3A_610 = arith.constant dense<0.000000e+00> : vector<1024x128xf32>
    %dot_general3A_611 = tpu.matmul %get3A_3, %get3A_609, %dot_general3A_610 {dimension_numbers = #tpu.dot_dimension_numbers<[1], [0], [0], [1], [0, 0, 1, 1], [], []>, transpose_lhs_hint = false} : vector<1024x32xf32>, vector<32x128xf32>, vector<1024x128xf32> -> vector<1024x128xf32>
    %get3A_612 = arith.constant 0 : index
    %get3A_613 = arith.constant 33 : index
    %get3A_614 = arith.constant 3328 : index
    %get3A_615 = vector.load %arg4[%get3A_612, %get3A_613, %get3A_614] : memref<1x40x8192xf32, #tpu.memory_space<vmem>>, vector<1x1x128xf32>
    %get3A_616 = vector.shape_cast %get3A_615 : vector<1x1x128xf32> to vector<1x128xf32>
    %add3A_617 = arith.addf %get3A_6, %dot_general3A_611 : vector<1024x128xf32>
    %add3A_618 = vector.broadcast %get3A_616 : vector<1x128xf32> to vector<1024x128xf32>
    %add3A_619 = arith.addf %add3A_617, %add3A_618 : vector<1024x128xf32>
    %lt3A_620 = arith.cmpf olt, %add3A_619, %select_n3A_598 : vector<1024x128xf32>
    %select_n3A_621 = arith.select %lt3A_620, %add3A_619, %select_n3A_598 : vector<1024x128xi1>, vector<1024x128xf32>
    %mul3A_622 = arith.constant 64 : i32
    %mul3A_623 = arith.muli %arg1, %mul3A_622 : i32
    %add3A_624 = arith.constant 26 : i32
    %add3A_625 = arith.addi %mul3A_623, %add3A_624 : i32
    %broadcast_in_dim3A_626 = vector.broadcast %add3A_625 : i32 to vector<1024x128xi32>
    %select_n3A_627 = arith.select %lt3A_620, %broadcast_in_dim3A_626, %select_n3A_604 : vector<1024x128xi1>, vector<1024x128xi32>
    %get3A_628 = arith.constant 0 : index
    %get3A_629 = arith.constant 0 : index
    %get3A_630 = arith.constant 3456 : index
    %get3A_631 = vector.load %arg4[%get3A_628, %get3A_629, %get3A_630] : memref<1x40x8192xf32, #tpu.memory_space<vmem>>, vector<1x32x128xf32>
    %get3A_632 = vector.shape_cast %get3A_631 : vector<1x32x128xf32> to vector<32x128xf32>
    %dot_general3A_633 = arith.constant dense<0.000000e+00> : vector<1024x128xf32>
    %dot_general3A_634 = tpu.matmul %get3A_3, %get3A_632, %dot_general3A_633 {dimension_numbers = #tpu.dot_dimension_numbers<[1], [0], [0], [1], [0, 0, 1, 1], [], []>, transpose_lhs_hint = false} : vector<1024x32xf32>, vector<32x128xf32>, vector<1024x128xf32> -> vector<1024x128xf32>
    %get3A_635 = arith.constant 0 : index
    %get3A_636 = arith.constant 33 : index
    %get3A_637 = arith.constant 3456 : index
    %get3A_638 = vector.load %arg4[%get3A_635, %get3A_636, %get3A_637] : memref<1x40x8192xf32, #tpu.memory_space<vmem>>, vector<1x1x128xf32>
    %get3A_639 = vector.shape_cast %get3A_638 : vector<1x1x128xf32> to vector<1x128xf32>
    %add3A_640 = arith.addf %get3A_6, %dot_general3A_634 : vector<1024x128xf32>
    %add3A_641 = vector.broadcast %get3A_639 : vector<1x128xf32> to vector<1024x128xf32>
    %add3A_642 = arith.addf %add3A_640, %add3A_641 : vector<1024x128xf32>
    %lt3A_643 = arith.cmpf olt, %add3A_642, %select_n3A_621 : vector<1024x128xf32>
    %select_n3A_644 = arith.select %lt3A_643, %add3A_642, %select_n3A_621 : vector<1024x128xi1>, vector<1024x128xf32>
    %mul3A_645 = arith.constant 64 : i32
    %mul3A_646 = arith.muli %arg1, %mul3A_645 : i32
    %add3A_647 = arith.constant 27 : i32
    %add3A_648 = arith.addi %mul3A_646, %add3A_647 : i32
    %broadcast_in_dim3A_649 = vector.broadcast %add3A_648 : i32 to vector<1024x128xi32>
    %select_n3A_650 = arith.select %lt3A_643, %broadcast_in_dim3A_649, %select_n3A_627 : vector<1024x128xi1>, vector<1024x128xi32>
    %get3A_651 = arith.constant 0 : index
    %get3A_652 = arith.constant 0 : index
    %get3A_653 = arith.constant 3584 : index
    %get3A_654 = vector.load %arg4[%get3A_651, %get3A_652, %get3A_653] : memref<1x40x8192xf32, #tpu.memory_space<vmem>>, vector<1x32x128xf32>
    %get3A_655 = vector.shape_cast %get3A_654 : vector<1x32x128xf32> to vector<32x128xf32>
    %dot_general3A_656 = arith.constant dense<0.000000e+00> : vector<1024x128xf32>
    %dot_general3A_657 = tpu.matmul %get3A_3, %get3A_655, %dot_general3A_656 {dimension_numbers = #tpu.dot_dimension_numbers<[1], [0], [0], [1], [0, 0, 1, 1], [], []>, transpose_lhs_hint = false} : vector<1024x32xf32>, vector<32x128xf32>, vector<1024x128xf32> -> vector<1024x128xf32>
    %get3A_658 = arith.constant 0 : index
    %get3A_659 = arith.constant 33 : index
    %get3A_660 = arith.constant 3584 : index
    %get3A_661 = vector.load %arg4[%get3A_658, %get3A_659, %get3A_660] : memref<1x40x8192xf32, #tpu.memory_space<vmem>>, vector<1x1x128xf32>
    %get3A_662 = vector.shape_cast %get3A_661 : vector<1x1x128xf32> to vector<1x128xf32>
    %add3A_663 = arith.addf %get3A_6, %dot_general3A_657 : vector<1024x128xf32>
    %add3A_664 = vector.broadcast %get3A_662 : vector<1x128xf32> to vector<1024x128xf32>
    %add3A_665 = arith.addf %add3A_663, %add3A_664 : vector<1024x128xf32>
    %lt3A_666 = arith.cmpf olt, %add3A_665, %select_n3A_644 : vector<1024x128xf32>
    %select_n3A_667 = arith.select %lt3A_666, %add3A_665, %select_n3A_644 : vector<1024x128xi1>, vector<1024x128xf32>
    %mul3A_668 = arith.constant 64 : i32
    %mul3A_669 = arith.muli %arg1, %mul3A_668 : i32
    %add3A_670 = arith.constant 28 : i32
    %add3A_671 = arith.addi %mul3A_669, %add3A_670 : i32
    %broadcast_in_dim3A_672 = vector.broadcast %add3A_671 : i32 to vector<1024x128xi32>
    %select_n3A_673 = arith.select %lt3A_666, %broadcast_in_dim3A_672, %select_n3A_650 : vector<1024x128xi1>, vector<1024x128xi32>
    %get3A_674 = arith.constant 0 : index
    %get3A_675 = arith.constant 0 : index
    %get3A_676 = arith.constant 3712 : index
    %get3A_677 = vector.load %arg4[%get3A_674, %get3A_675, %get3A_676] : memref<1x40x8192xf32, #tpu.memory_space<vmem>>, vector<1x32x128xf32>
    %get3A_678 = vector.shape_cast %get3A_677 : vector<1x32x128xf32> to vector<32x128xf32>
    %dot_general3A_679 = arith.constant dense<0.000000e+00> : vector<1024x128xf32>
    %dot_general3A_680 = tpu.matmul %get3A_3, %get3A_678, %dot_general3A_679 {dimension_numbers = #tpu.dot_dimension_numbers<[1], [0], [0], [1], [0, 0, 1, 1], [], []>, transpose_lhs_hint = false} : vector<1024x32xf32>, vector<32x128xf32>, vector<1024x128xf32> -> vector<1024x128xf32>
    %get3A_681 = arith.constant 0 : index
    %get3A_682 = arith.constant 33 : index
    %get3A_683 = arith.constant 3712 : index
    %get3A_684 = vector.load %arg4[%get3A_681, %get3A_682, %get3A_683] : memref<1x40x8192xf32, #tpu.memory_space<vmem>>, vector<1x1x128xf32>
    %get3A_685 = vector.shape_cast %get3A_684 : vector<1x1x128xf32> to vector<1x128xf32>
    %add3A_686 = arith.addf %get3A_6, %dot_general3A_680 : vector<1024x128xf32>
    %add3A_687 = vector.broadcast %get3A_685 : vector<1x128xf32> to vector<1024x128xf32>
    %add3A_688 = arith.addf %add3A_686, %add3A_687 : vector<1024x128xf32>
    %lt3A_689 = arith.cmpf olt, %add3A_688, %select_n3A_667 : vector<1024x128xf32>
    %select_n3A_690 = arith.select %lt3A_689, %add3A_688, %select_n3A_667 : vector<1024x128xi1>, vector<1024x128xf32>
    %mul3A_691 = arith.constant 64 : i32
    %mul3A_692 = arith.muli %arg1, %mul3A_691 : i32
    %add3A_693 = arith.constant 29 : i32
    %add3A_694 = arith.addi %mul3A_692, %add3A_693 : i32
    %broadcast_in_dim3A_695 = vector.broadcast %add3A_694 : i32 to vector<1024x128xi32>
    %select_n3A_696 = arith.select %lt3A_689, %broadcast_in_dim3A_695, %select_n3A_673 : vector<1024x128xi1>, vector<1024x128xi32>
    %get3A_697 = arith.constant 0 : index
    %get3A_698 = arith.constant 0 : index
    %get3A_699 = arith.constant 3840 : index
    %get3A_700 = vector.load %arg4[%get3A_697, %get3A_698, %get3A_699] : memref<1x40x8192xf32, #tpu.memory_space<vmem>>, vector<1x32x128xf32>
    %get3A_701 = vector.shape_cast %get3A_700 : vector<1x32x128xf32> to vector<32x128xf32>
    %dot_general3A_702 = arith.constant dense<0.000000e+00> : vector<1024x128xf32>
    %dot_general3A_703 = tpu.matmul %get3A_3, %get3A_701, %dot_general3A_702 {dimension_numbers = #tpu.dot_dimension_numbers<[1], [0], [0], [1], [0, 0, 1, 1], [], []>, transpose_lhs_hint = false} : vector<1024x32xf32>, vector<32x128xf32>, vector<1024x128xf32> -> vector<1024x128xf32>
    %get3A_704 = arith.constant 0 : index
    %get3A_705 = arith.constant 33 : index
    %get3A_706 = arith.constant 3840 : index
    %get3A_707 = vector.load %arg4[%get3A_704, %get3A_705, %get3A_706] : memref<1x40x8192xf32, #tpu.memory_space<vmem>>, vector<1x1x128xf32>
    %get3A_708 = vector.shape_cast %get3A_707 : vector<1x1x128xf32> to vector<1x128xf32>
    %add3A_709 = arith.addf %get3A_6, %dot_general3A_703 : vector<1024x128xf32>
    %add3A_710 = vector.broadcast %get3A_708 : vector<1x128xf32> to vector<1024x128xf32>
    %add3A_711 = arith.addf %add3A_709, %add3A_710 : vector<1024x128xf32>
    %lt3A_712 = arith.cmpf olt, %add3A_711, %select_n3A_690 : vector<1024x128xf32>
    %select_n3A_713 = arith.select %lt3A_712, %add3A_711, %select_n3A_690 : vector<1024x128xi1>, vector<1024x128xf32>
    %mul3A_714 = arith.constant 64 : i32
    %mul3A_715 = arith.muli %arg1, %mul3A_714 : i32
    %add3A_716 = arith.constant 30 : i32
    %add3A_717 = arith.addi %mul3A_715, %add3A_716 : i32
    %broadcast_in_dim3A_718 = vector.broadcast %add3A_717 : i32 to vector<1024x128xi32>
    %select_n3A_719 = arith.select %lt3A_712, %broadcast_in_dim3A_718, %select_n3A_696 : vector<1024x128xi1>, vector<1024x128xi32>
    %get3A_720 = arith.constant 0 : index
    %get3A_721 = arith.constant 0 : index
    %get3A_722 = arith.constant 3968 : index
    %get3A_723 = vector.load %arg4[%get3A_720, %get3A_721, %get3A_722] : memref<1x40x8192xf32, #tpu.memory_space<vmem>>, vector<1x32x128xf32>
    %get3A_724 = vector.shape_cast %get3A_723 : vector<1x32x128xf32> to vector<32x128xf32>
    %dot_general3A_725 = arith.constant dense<0.000000e+00> : vector<1024x128xf32>
    %dot_general3A_726 = tpu.matmul %get3A_3, %get3A_724, %dot_general3A_725 {dimension_numbers = #tpu.dot_dimension_numbers<[1], [0], [0], [1], [0, 0, 1, 1], [], []>, transpose_lhs_hint = false} : vector<1024x32xf32>, vector<32x128xf32>, vector<1024x128xf32> -> vector<1024x128xf32>
    %get3A_727 = arith.constant 0 : index
    %get3A_728 = arith.constant 33 : index
    %get3A_729 = arith.constant 3968 : index
    %get3A_730 = vector.load %arg4[%get3A_727, %get3A_728, %get3A_729] : memref<1x40x8192xf32, #tpu.memory_space<vmem>>, vector<1x1x128xf32>
    %get3A_731 = vector.shape_cast %get3A_730 : vector<1x1x128xf32> to vector<1x128xf32>
    %add3A_732 = arith.addf %get3A_6, %dot_general3A_726 : vector<1024x128xf32>
    %add3A_733 = vector.broadcast %get3A_731 : vector<1x128xf32> to vector<1024x128xf32>
    %add3A_734 = arith.addf %add3A_732, %add3A_733 : vector<1024x128xf32>
    %lt3A_735 = arith.cmpf olt, %add3A_734, %select_n3A_713 : vector<1024x128xf32>
    %select_n3A_736 = arith.select %lt3A_735, %add3A_734, %select_n3A_713 : vector<1024x128xi1>, vector<1024x128xf32>
    %mul3A_737 = arith.constant 64 : i32
    %mul3A_738 = arith.muli %arg1, %mul3A_737 : i32
    %add3A_739 = arith.constant 31 : i32
    %add3A_740 = arith.addi %mul3A_738, %add3A_739 : i32
    %broadcast_in_dim3A_741 = vector.broadcast %add3A_740 : i32 to vector<1024x128xi32>
    %select_n3A_742 = arith.select %lt3A_735, %broadcast_in_dim3A_741, %select_n3A_719 : vector<1024x128xi1>, vector<1024x128xi32>
    %get3A_743 = arith.constant 0 : index
    %get3A_744 = arith.constant 0 : index
    %get3A_745 = arith.constant 4096 : index
    %get3A_746 = vector.load %arg4[%get3A_743, %get3A_744, %get3A_745] : memref<1x40x8192xf32, #tpu.memory_space<vmem>>, vector<1x32x128xf32>
    %get3A_747 = vector.shape_cast %get3A_746 : vector<1x32x128xf32> to vector<32x128xf32>
    %dot_general3A_748 = arith.constant dense<0.000000e+00> : vector<1024x128xf32>
    %dot_general3A_749 = tpu.matmul %get3A_3, %get3A_747, %dot_general3A_748 {dimension_numbers = #tpu.dot_dimension_numbers<[1], [0], [0], [1], [0, 0, 1, 1], [], []>, transpose_lhs_hint = false} : vector<1024x32xf32>, vector<32x128xf32>, vector<1024x128xf32> -> vector<1024x128xf32>
    %get3A_750 = arith.constant 0 : index
    %get3A_751 = arith.constant 33 : index
    %get3A_752 = arith.constant 4096 : index
    %get3A_753 = vector.load %arg4[%get3A_750, %get3A_751, %get3A_752] : memref<1x40x8192xf32, #tpu.memory_space<vmem>>, vector<1x1x128xf32>
    %get3A_754 = vector.shape_cast %get3A_753 : vector<1x1x128xf32> to vector<1x128xf32>
    %add3A_755 = arith.addf %get3A_6, %dot_general3A_749 : vector<1024x128xf32>
    %add3A_756 = vector.broadcast %get3A_754 : vector<1x128xf32> to vector<1024x128xf32>
    %add3A_757 = arith.addf %add3A_755, %add3A_756 : vector<1024x128xf32>
    %lt3A_758 = arith.cmpf olt, %add3A_757, %select_n3A_736 : vector<1024x128xf32>
    %select_n3A_759 = arith.select %lt3A_758, %add3A_757, %select_n3A_736 : vector<1024x128xi1>, vector<1024x128xf32>
    %mul3A_760 = arith.constant 64 : i32
    %mul3A_761 = arith.muli %arg1, %mul3A_760 : i32
    %add3A_762 = arith.constant 32 : i32
    %add3A_763 = arith.addi %mul3A_761, %add3A_762 : i32
    %broadcast_in_dim3A_764 = vector.broadcast %add3A_763 : i32 to vector<1024x128xi32>
    %select_n3A_765 = arith.select %lt3A_758, %broadcast_in_dim3A_764, %select_n3A_742 : vector<1024x128xi1>, vector<1024x128xi32>
    %get3A_766 = arith.constant 0 : index
    %get3A_767 = arith.constant 0 : index
    %get3A_768 = arith.constant 4224 : index
    %get3A_769 = vector.load %arg4[%get3A_766, %get3A_767, %get3A_768] : memref<1x40x8192xf32, #tpu.memory_space<vmem>>, vector<1x32x128xf32>
    %get3A_770 = vector.shape_cast %get3A_769 : vector<1x32x128xf32> to vector<32x128xf32>
    %dot_general3A_771 = arith.constant dense<0.000000e+00> : vector<1024x128xf32>
    %dot_general3A_772 = tpu.matmul %get3A_3, %get3A_770, %dot_general3A_771 {dimension_numbers = #tpu.dot_dimension_numbers<[1], [0], [0], [1], [0, 0, 1, 1], [], []>, transpose_lhs_hint = false} : vector<1024x32xf32>, vector<32x128xf32>, vector<1024x128xf32> -> vector<1024x128xf32>
    %get3A_773 = arith.constant 0 : index
    %get3A_774 = arith.constant 33 : index
    %get3A_775 = arith.constant 4224 : index
    %get3A_776 = vector.load %arg4[%get3A_773, %get3A_774, %get3A_775] : memref<1x40x8192xf32, #tpu.memory_space<vmem>>, vector<1x1x128xf32>
    %get3A_777 = vector.shape_cast %get3A_776 : vector<1x1x128xf32> to vector<1x128xf32>
    %add3A_778 = arith.addf %get3A_6, %dot_general3A_772 : vector<1024x128xf32>
    %add3A_779 = vector.broadcast %get3A_777 : vector<1x128xf32> to vector<1024x128xf32>
    %add3A_780 = arith.addf %add3A_778, %add3A_779 : vector<1024x128xf32>
    %lt3A_781 = arith.cmpf olt, %add3A_780, %select_n3A_759 : vector<1024x128xf32>
    %select_n3A_782 = arith.select %lt3A_781, %add3A_780, %select_n3A_759 : vector<1024x128xi1>, vector<1024x128xf32>
    %mul3A_783 = arith.constant 64 : i32
    %mul3A_784 = arith.muli %arg1, %mul3A_783 : i32
    %add3A_785 = arith.constant 33 : i32
    %add3A_786 = arith.addi %mul3A_784, %add3A_785 : i32
    %broadcast_in_dim3A_787 = vector.broadcast %add3A_786 : i32 to vector<1024x128xi32>
    %select_n3A_788 = arith.select %lt3A_781, %broadcast_in_dim3A_787, %select_n3A_765 : vector<1024x128xi1>, vector<1024x128xi32>
    %get3A_789 = arith.constant 0 : index
    %get3A_790 = arith.constant 0 : index
    %get3A_791 = arith.constant 4352 : index
    %get3A_792 = vector.load %arg4[%get3A_789, %get3A_790, %get3A_791] : memref<1x40x8192xf32, #tpu.memory_space<vmem>>, vector<1x32x128xf32>
    %get3A_793 = vector.shape_cast %get3A_792 : vector<1x32x128xf32> to vector<32x128xf32>
    %dot_general3A_794 = arith.constant dense<0.000000e+00> : vector<1024x128xf32>
    %dot_general3A_795 = tpu.matmul %get3A_3, %get3A_793, %dot_general3A_794 {dimension_numbers = #tpu.dot_dimension_numbers<[1], [0], [0], [1], [0, 0, 1, 1], [], []>, transpose_lhs_hint = false} : vector<1024x32xf32>, vector<32x128xf32>, vector<1024x128xf32> -> vector<1024x128xf32>
    %get3A_796 = arith.constant 0 : index
    %get3A_797 = arith.constant 33 : index
    %get3A_798 = arith.constant 4352 : index
    %get3A_799 = vector.load %arg4[%get3A_796, %get3A_797, %get3A_798] : memref<1x40x8192xf32, #tpu.memory_space<vmem>>, vector<1x1x128xf32>
    %get3A_800 = vector.shape_cast %get3A_799 : vector<1x1x128xf32> to vector<1x128xf32>
    %add3A_801 = arith.addf %get3A_6, %dot_general3A_795 : vector<1024x128xf32>
    %add3A_802 = vector.broadcast %get3A_800 : vector<1x128xf32> to vector<1024x128xf32>
    %add3A_803 = arith.addf %add3A_801, %add3A_802 : vector<1024x128xf32>
    %lt3A_804 = arith.cmpf olt, %add3A_803, %select_n3A_782 : vector<1024x128xf32>
    %select_n3A_805 = arith.select %lt3A_804, %add3A_803, %select_n3A_782 : vector<1024x128xi1>, vector<1024x128xf32>
    %mul3A_806 = arith.constant 64 : i32
    %mul3A_807 = arith.muli %arg1, %mul3A_806 : i32
    %add3A_808 = arith.constant 34 : i32
    %add3A_809 = arith.addi %mul3A_807, %add3A_808 : i32
    %broadcast_in_dim3A_810 = vector.broadcast %add3A_809 : i32 to vector<1024x128xi32>
    %select_n3A_811 = arith.select %lt3A_804, %broadcast_in_dim3A_810, %select_n3A_788 : vector<1024x128xi1>, vector<1024x128xi32>
    %get3A_812 = arith.constant 0 : index
    %get3A_813 = arith.constant 0 : index
    %get3A_814 = arith.constant 4480 : index
    %get3A_815 = vector.load %arg4[%get3A_812, %get3A_813, %get3A_814] : memref<1x40x8192xf32, #tpu.memory_space<vmem>>, vector<1x32x128xf32>
    %get3A_816 = vector.shape_cast %get3A_815 : vector<1x32x128xf32> to vector<32x128xf32>
    %dot_general3A_817 = arith.constant dense<0.000000e+00> : vector<1024x128xf32>
    %dot_general3A_818 = tpu.matmul %get3A_3, %get3A_816, %dot_general3A_817 {dimension_numbers = #tpu.dot_dimension_numbers<[1], [0], [0], [1], [0, 0, 1, 1], [], []>, transpose_lhs_hint = false} : vector<1024x32xf32>, vector<32x128xf32>, vector<1024x128xf32> -> vector<1024x128xf32>
    %get3A_819 = arith.constant 0 : index
    %get3A_820 = arith.constant 33 : index
    %get3A_821 = arith.constant 4480 : index
    %get3A_822 = vector.load %arg4[%get3A_819, %get3A_820, %get3A_821] : memref<1x40x8192xf32, #tpu.memory_space<vmem>>, vector<1x1x128xf32>
    %get3A_823 = vector.shape_cast %get3A_822 : vector<1x1x128xf32> to vector<1x128xf32>
    %add3A_824 = arith.addf %get3A_6, %dot_general3A_818 : vector<1024x128xf32>
    %add3A_825 = vector.broadcast %get3A_823 : vector<1x128xf32> to vector<1024x128xf32>
    %add3A_826 = arith.addf %add3A_824, %add3A_825 : vector<1024x128xf32>
    %lt3A_827 = arith.cmpf olt, %add3A_826, %select_n3A_805 : vector<1024x128xf32>
    %select_n3A_828 = arith.select %lt3A_827, %add3A_826, %select_n3A_805 : vector<1024x128xi1>, vector<1024x128xf32>
    %mul3A_829 = arith.constant 64 : i32
    %mul3A_830 = arith.muli %arg1, %mul3A_829 : i32
    %add3A_831 = arith.constant 35 : i32
    %add3A_832 = arith.addi %mul3A_830, %add3A_831 : i32
    %broadcast_in_dim3A_833 = vector.broadcast %add3A_832 : i32 to vector<1024x128xi32>
    %select_n3A_834 = arith.select %lt3A_827, %broadcast_in_dim3A_833, %select_n3A_811 : vector<1024x128xi1>, vector<1024x128xi32>
    %get3A_835 = arith.constant 0 : index
    %get3A_836 = arith.constant 0 : index
    %get3A_837 = arith.constant 4608 : index
    %get3A_838 = vector.load %arg4[%get3A_835, %get3A_836, %get3A_837] : memref<1x40x8192xf32, #tpu.memory_space<vmem>>, vector<1x32x128xf32>
    %get3A_839 = vector.shape_cast %get3A_838 : vector<1x32x128xf32> to vector<32x128xf32>
    %dot_general3A_840 = arith.constant dense<0.000000e+00> : vector<1024x128xf32>
    %dot_general3A_841 = tpu.matmul %get3A_3, %get3A_839, %dot_general3A_840 {dimension_numbers = #tpu.dot_dimension_numbers<[1], [0], [0], [1], [0, 0, 1, 1], [], []>, transpose_lhs_hint = false} : vector<1024x32xf32>, vector<32x128xf32>, vector<1024x128xf32> -> vector<1024x128xf32>
    %get3A_842 = arith.constant 0 : index
    %get3A_843 = arith.constant 33 : index
    %get3A_844 = arith.constant 4608 : index
    %get3A_845 = vector.load %arg4[%get3A_842, %get3A_843, %get3A_844] : memref<1x40x8192xf32, #tpu.memory_space<vmem>>, vector<1x1x128xf32>
    %get3A_846 = vector.shape_cast %get3A_845 : vector<1x1x128xf32> to vector<1x128xf32>
    %add3A_847 = arith.addf %get3A_6, %dot_general3A_841 : vector<1024x128xf32>
    %add3A_848 = vector.broadcast %get3A_846 : vector<1x128xf32> to vector<1024x128xf32>
    %add3A_849 = arith.addf %add3A_847, %add3A_848 : vector<1024x128xf32>
    %lt3A_850 = arith.cmpf olt, %add3A_849, %select_n3A_828 : vector<1024x128xf32>
    %select_n3A_851 = arith.select %lt3A_850, %add3A_849, %select_n3A_828 : vector<1024x128xi1>, vector<1024x128xf32>
    %mul3A_852 = arith.constant 64 : i32
    %mul3A_853 = arith.muli %arg1, %mul3A_852 : i32
    %add3A_854 = arith.constant 36 : i32
    %add3A_855 = arith.addi %mul3A_853, %add3A_854 : i32
    %broadcast_in_dim3A_856 = vector.broadcast %add3A_855 : i32 to vector<1024x128xi32>
    %select_n3A_857 = arith.select %lt3A_850, %broadcast_in_dim3A_856, %select_n3A_834 : vector<1024x128xi1>, vector<1024x128xi32>
    %get3A_858 = arith.constant 0 : index
    %get3A_859 = arith.constant 0 : index
    %get3A_860 = arith.constant 4736 : index
    %get3A_861 = vector.load %arg4[%get3A_858, %get3A_859, %get3A_860] : memref<1x40x8192xf32, #tpu.memory_space<vmem>>, vector<1x32x128xf32>
    %get3A_862 = vector.shape_cast %get3A_861 : vector<1x32x128xf32> to vector<32x128xf32>
    %dot_general3A_863 = arith.constant dense<0.000000e+00> : vector<1024x128xf32>
    %dot_general3A_864 = tpu.matmul %get3A_3, %get3A_862, %dot_general3A_863 {dimension_numbers = #tpu.dot_dimension_numbers<[1], [0], [0], [1], [0, 0, 1, 1], [], []>, transpose_lhs_hint = false} : vector<1024x32xf32>, vector<32x128xf32>, vector<1024x128xf32> -> vector<1024x128xf32>
    %get3A_865 = arith.constant 0 : index
    %get3A_866 = arith.constant 33 : index
    %get3A_867 = arith.constant 4736 : index
    %get3A_868 = vector.load %arg4[%get3A_865, %get3A_866, %get3A_867] : memref<1x40x8192xf32, #tpu.memory_space<vmem>>, vector<1x1x128xf32>
    %get3A_869 = vector.shape_cast %get3A_868 : vector<1x1x128xf32> to vector<1x128xf32>
    %add3A_870 = arith.addf %get3A_6, %dot_general3A_864 : vector<1024x128xf32>
    %add3A_871 = vector.broadcast %get3A_869 : vector<1x128xf32> to vector<1024x128xf32>
    %add3A_872 = arith.addf %add3A_870, %add3A_871 : vector<1024x128xf32>
    %lt3A_873 = arith.cmpf olt, %add3A_872, %select_n3A_851 : vector<1024x128xf32>
    %select_n3A_874 = arith.select %lt3A_873, %add3A_872, %select_n3A_851 : vector<1024x128xi1>, vector<1024x128xf32>
    %mul3A_875 = arith.constant 64 : i32
    %mul3A_876 = arith.muli %arg1, %mul3A_875 : i32
    %add3A_877 = arith.constant 37 : i32
    %add3A_878 = arith.addi %mul3A_876, %add3A_877 : i32
    %broadcast_in_dim3A_879 = vector.broadcast %add3A_878 : i32 to vector<1024x128xi32>
    %select_n3A_880 = arith.select %lt3A_873, %broadcast_in_dim3A_879, %select_n3A_857 : vector<1024x128xi1>, vector<1024x128xi32>
    %get3A_881 = arith.constant 0 : index
    %get3A_882 = arith.constant 0 : index
    %get3A_883 = arith.constant 4864 : index
    %get3A_884 = vector.load %arg4[%get3A_881, %get3A_882, %get3A_883] : memref<1x40x8192xf32, #tpu.memory_space<vmem>>, vector<1x32x128xf32>
    %get3A_885 = vector.shape_cast %get3A_884 : vector<1x32x128xf32> to vector<32x128xf32>
    %dot_general3A_886 = arith.constant dense<0.000000e+00> : vector<1024x128xf32>
    %dot_general3A_887 = tpu.matmul %get3A_3, %get3A_885, %dot_general3A_886 {dimension_numbers = #tpu.dot_dimension_numbers<[1], [0], [0], [1], [0, 0, 1, 1], [], []>, transpose_lhs_hint = false} : vector<1024x32xf32>, vector<32x128xf32>, vector<1024x128xf32> -> vector<1024x128xf32>
    %get3A_888 = arith.constant 0 : index
    %get3A_889 = arith.constant 33 : index
    %get3A_890 = arith.constant 4864 : index
    %get3A_891 = vector.load %arg4[%get3A_888, %get3A_889, %get3A_890] : memref<1x40x8192xf32, #tpu.memory_space<vmem>>, vector<1x1x128xf32>
    %get3A_892 = vector.shape_cast %get3A_891 : vector<1x1x128xf32> to vector<1x128xf32>
    %add3A_893 = arith.addf %get3A_6, %dot_general3A_887 : vector<1024x128xf32>
    %add3A_894 = vector.broadcast %get3A_892 : vector<1x128xf32> to vector<1024x128xf32>
    %add3A_895 = arith.addf %add3A_893, %add3A_894 : vector<1024x128xf32>
    %lt3A_896 = arith.cmpf olt, %add3A_895, %select_n3A_874 : vector<1024x128xf32>
    %select_n3A_897 = arith.select %lt3A_896, %add3A_895, %select_n3A_874 : vector<1024x128xi1>, vector<1024x128xf32>
    %mul3A_898 = arith.constant 64 : i32
    %mul3A_899 = arith.muli %arg1, %mul3A_898 : i32
    %add3A_900 = arith.constant 38 : i32
    %add3A_901 = arith.addi %mul3A_899, %add3A_900 : i32
    %broadcast_in_dim3A_902 = vector.broadcast %add3A_901 : i32 to vector<1024x128xi32>
    %select_n3A_903 = arith.select %lt3A_896, %broadcast_in_dim3A_902, %select_n3A_880 : vector<1024x128xi1>, vector<1024x128xi32>
    %get3A_904 = arith.constant 0 : index
    %get3A_905 = arith.constant 0 : index
    %get3A_906 = arith.constant 4992 : index
    %get3A_907 = vector.load %arg4[%get3A_904, %get3A_905, %get3A_906] : memref<1x40x8192xf32, #tpu.memory_space<vmem>>, vector<1x32x128xf32>
    %get3A_908 = vector.shape_cast %get3A_907 : vector<1x32x128xf32> to vector<32x128xf32>
    %dot_general3A_909 = arith.constant dense<0.000000e+00> : vector<1024x128xf32>
    %dot_general3A_910 = tpu.matmul %get3A_3, %get3A_908, %dot_general3A_909 {dimension_numbers = #tpu.dot_dimension_numbers<[1], [0], [0], [1], [0, 0, 1, 1], [], []>, transpose_lhs_hint = false} : vector<1024x32xf32>, vector<32x128xf32>, vector<1024x128xf32> -> vector<1024x128xf32>
    %get3A_911 = arith.constant 0 : index
    %get3A_912 = arith.constant 33 : index
    %get3A_913 = arith.constant 4992 : index
    %get3A_914 = vector.load %arg4[%get3A_911, %get3A_912, %get3A_913] : memref<1x40x8192xf32, #tpu.memory_space<vmem>>, vector<1x1x128xf32>
    %get3A_915 = vector.shape_cast %get3A_914 : vector<1x1x128xf32> to vector<1x128xf32>
    %add3A_916 = arith.addf %get3A_6, %dot_general3A_910 : vector<1024x128xf32>
    %add3A_917 = vector.broadcast %get3A_915 : vector<1x128xf32> to vector<1024x128xf32>
    %add3A_918 = arith.addf %add3A_916, %add3A_917 : vector<1024x128xf32>
    %lt3A_919 = arith.cmpf olt, %add3A_918, %select_n3A_897 : vector<1024x128xf32>
    %select_n3A_920 = arith.select %lt3A_919, %add3A_918, %select_n3A_897 : vector<1024x128xi1>, vector<1024x128xf32>
    %mul3A_921 = arith.constant 64 : i32
    %mul3A_922 = arith.muli %arg1, %mul3A_921 : i32
    %add3A_923 = arith.constant 39 : i32
    %add3A_924 = arith.addi %mul3A_922, %add3A_923 : i32
    %broadcast_in_dim3A_925 = vector.broadcast %add3A_924 : i32 to vector<1024x128xi32>
    %select_n3A_926 = arith.select %lt3A_919, %broadcast_in_dim3A_925, %select_n3A_903 : vector<1024x128xi1>, vector<1024x128xi32>
    %get3A_927 = arith.constant 0 : index
    %get3A_928 = arith.constant 0 : index
    %get3A_929 = arith.constant 5120 : index
    %get3A_930 = vector.load %arg4[%get3A_927, %get3A_928, %get3A_929] : memref<1x40x8192xf32, #tpu.memory_space<vmem>>, vector<1x32x128xf32>
    %get3A_931 = vector.shape_cast %get3A_930 : vector<1x32x128xf32> to vector<32x128xf32>
    %dot_general3A_932 = arith.constant dense<0.000000e+00> : vector<1024x128xf32>
    %dot_general3A_933 = tpu.matmul %get3A_3, %get3A_931, %dot_general3A_932 {dimension_numbers = #tpu.dot_dimension_numbers<[1], [0], [0], [1], [0, 0, 1, 1], [], []>, transpose_lhs_hint = false} : vector<1024x32xf32>, vector<32x128xf32>, vector<1024x128xf32> -> vector<1024x128xf32>
    %get3A_934 = arith.constant 0 : index
    %get3A_935 = arith.constant 33 : index
    %get3A_936 = arith.constant 5120 : index
    %get3A_937 = vector.load %arg4[%get3A_934, %get3A_935, %get3A_936] : memref<1x40x8192xf32, #tpu.memory_space<vmem>>, vector<1x1x128xf32>
    %get3A_938 = vector.shape_cast %get3A_937 : vector<1x1x128xf32> to vector<1x128xf32>
    %add3A_939 = arith.addf %get3A_6, %dot_general3A_933 : vector<1024x128xf32>
    %add3A_940 = vector.broadcast %get3A_938 : vector<1x128xf32> to vector<1024x128xf32>
    %add3A_941 = arith.addf %add3A_939, %add3A_940 : vector<1024x128xf32>
    %lt3A_942 = arith.cmpf olt, %add3A_941, %select_n3A_920 : vector<1024x128xf32>
    %select_n3A_943 = arith.select %lt3A_942, %add3A_941, %select_n3A_920 : vector<1024x128xi1>, vector<1024x128xf32>
    %mul3A_944 = arith.constant 64 : i32
    %mul3A_945 = arith.muli %arg1, %mul3A_944 : i32
    %add3A_946 = arith.constant 40 : i32
    %add3A_947 = arith.addi %mul3A_945, %add3A_946 : i32
    %broadcast_in_dim3A_948 = vector.broadcast %add3A_947 : i32 to vector<1024x128xi32>
    %select_n3A_949 = arith.select %lt3A_942, %broadcast_in_dim3A_948, %select_n3A_926 : vector<1024x128xi1>, vector<1024x128xi32>
    %get3A_950 = arith.constant 0 : index
    %get3A_951 = arith.constant 0 : index
    %get3A_952 = arith.constant 5248 : index
    %get3A_953 = vector.load %arg4[%get3A_950, %get3A_951, %get3A_952] : memref<1x40x8192xf32, #tpu.memory_space<vmem>>, vector<1x32x128xf32>
    %get3A_954 = vector.shape_cast %get3A_953 : vector<1x32x128xf32> to vector<32x128xf32>
    %dot_general3A_955 = arith.constant dense<0.000000e+00> : vector<1024x128xf32>
    %dot_general3A_956 = tpu.matmul %get3A_3, %get3A_954, %dot_general3A_955 {dimension_numbers = #tpu.dot_dimension_numbers<[1], [0], [0], [1], [0, 0, 1, 1], [], []>, transpose_lhs_hint = false} : vector<1024x32xf32>, vector<32x128xf32>, vector<1024x128xf32> -> vector<1024x128xf32>
    %get3A_957 = arith.constant 0 : index
    %get3A_958 = arith.constant 33 : index
    %get3A_959 = arith.constant 5248 : index
    %get3A_960 = vector.load %arg4[%get3A_957, %get3A_958, %get3A_959] : memref<1x40x8192xf32, #tpu.memory_space<vmem>>, vector<1x1x128xf32>
    %get3A_961 = vector.shape_cast %get3A_960 : vector<1x1x128xf32> to vector<1x128xf32>
    %add3A_962 = arith.addf %get3A_6, %dot_general3A_956 : vector<1024x128xf32>
    %add3A_963 = vector.broadcast %get3A_961 : vector<1x128xf32> to vector<1024x128xf32>
    %add3A_964 = arith.addf %add3A_962, %add3A_963 : vector<1024x128xf32>
    %lt3A_965 = arith.cmpf olt, %add3A_964, %select_n3A_943 : vector<1024x128xf32>
    %select_n3A_966 = arith.select %lt3A_965, %add3A_964, %select_n3A_943 : vector<1024x128xi1>, vector<1024x128xf32>
    %mul3A_967 = arith.constant 64 : i32
    %mul3A_968 = arith.muli %arg1, %mul3A_967 : i32
    %add3A_969 = arith.constant 41 : i32
    %add3A_970 = arith.addi %mul3A_968, %add3A_969 : i32
    %broadcast_in_dim3A_971 = vector.broadcast %add3A_970 : i32 to vector<1024x128xi32>
    %select_n3A_972 = arith.select %lt3A_965, %broadcast_in_dim3A_971, %select_n3A_949 : vector<1024x128xi1>, vector<1024x128xi32>
    %get3A_973 = arith.constant 0 : index
    %get3A_974 = arith.constant 0 : index
    %get3A_975 = arith.constant 5376 : index
    %get3A_976 = vector.load %arg4[%get3A_973, %get3A_974, %get3A_975] : memref<1x40x8192xf32, #tpu.memory_space<vmem>>, vector<1x32x128xf32>
    %get3A_977 = vector.shape_cast %get3A_976 : vector<1x32x128xf32> to vector<32x128xf32>
    %dot_general3A_978 = arith.constant dense<0.000000e+00> : vector<1024x128xf32>
    %dot_general3A_979 = tpu.matmul %get3A_3, %get3A_977, %dot_general3A_978 {dimension_numbers = #tpu.dot_dimension_numbers<[1], [0], [0], [1], [0, 0, 1, 1], [], []>, transpose_lhs_hint = false} : vector<1024x32xf32>, vector<32x128xf32>, vector<1024x128xf32> -> vector<1024x128xf32>
    %get3A_980 = arith.constant 0 : index
    %get3A_981 = arith.constant 33 : index
    %get3A_982 = arith.constant 5376 : index
    %get3A_983 = vector.load %arg4[%get3A_980, %get3A_981, %get3A_982] : memref<1x40x8192xf32, #tpu.memory_space<vmem>>, vector<1x1x128xf32>
    %get3A_984 = vector.shape_cast %get3A_983 : vector<1x1x128xf32> to vector<1x128xf32>
    %add3A_985 = arith.addf %get3A_6, %dot_general3A_979 : vector<1024x128xf32>
    %add3A_986 = vector.broadcast %get3A_984 : vector<1x128xf32> to vector<1024x128xf32>
    %add3A_987 = arith.addf %add3A_985, %add3A_986 : vector<1024x128xf32>
    %lt3A_988 = arith.cmpf olt, %add3A_987, %select_n3A_966 : vector<1024x128xf32>
    %select_n3A_989 = arith.select %lt3A_988, %add3A_987, %select_n3A_966 : vector<1024x128xi1>, vector<1024x128xf32>
    %mul3A_990 = arith.constant 64 : i32
    %mul3A_991 = arith.muli %arg1, %mul3A_990 : i32
    %add3A_992 = arith.constant 42 : i32
    %add3A_993 = arith.addi %mul3A_991, %add3A_992 : i32
    %broadcast_in_dim3A_994 = vector.broadcast %add3A_993 : i32 to vector<1024x128xi32>
    %select_n3A_995 = arith.select %lt3A_988, %broadcast_in_dim3A_994, %select_n3A_972 : vector<1024x128xi1>, vector<1024x128xi32>
    %get3A_996 = arith.constant 0 : index
    %get3A_997 = arith.constant 0 : index
    %get3A_998 = arith.constant 5504 : index
    %get3A_999 = vector.load %arg4[%get3A_996, %get3A_997, %get3A_998] : memref<1x40x8192xf32, #tpu.memory_space<vmem>>, vector<1x32x128xf32>
    %get3A_1000 = vector.shape_cast %get3A_999 : vector<1x32x128xf32> to vector<32x128xf32>
    %dot_general3A_1001 = arith.constant dense<0.000000e+00> : vector<1024x128xf32>
    %dot_general3A_1002 = tpu.matmul %get3A_3, %get3A_1000, %dot_general3A_1001 {dimension_numbers = #tpu.dot_dimension_numbers<[1], [0], [0], [1], [0, 0, 1, 1], [], []>, transpose_lhs_hint = false} : vector<1024x32xf32>, vector<32x128xf32>, vector<1024x128xf32> -> vector<1024x128xf32>
    %get3A_1003 = arith.constant 0 : index
    %get3A_1004 = arith.constant 33 : index
    %get3A_1005 = arith.constant 5504 : index
    %get3A_1006 = vector.load %arg4[%get3A_1003, %get3A_1004, %get3A_1005] : memref<1x40x8192xf32, #tpu.memory_space<vmem>>, vector<1x1x128xf32>
    %get3A_1007 = vector.shape_cast %get3A_1006 : vector<1x1x128xf32> to vector<1x128xf32>
    %add3A_1008 = arith.addf %get3A_6, %dot_general3A_1002 : vector<1024x128xf32>
    %add3A_1009 = vector.broadcast %get3A_1007 : vector<1x128xf32> to vector<1024x128xf32>
    %add3A_1010 = arith.addf %add3A_1008, %add3A_1009 : vector<1024x128xf32>
    %lt3A_1011 = arith.cmpf olt, %add3A_1010, %select_n3A_989 : vector<1024x128xf32>
    %select_n3A_1012 = arith.select %lt3A_1011, %add3A_1010, %select_n3A_989 : vector<1024x128xi1>, vector<1024x128xf32>
    %mul3A_1013 = arith.constant 64 : i32
    %mul3A_1014 = arith.muli %arg1, %mul3A_1013 : i32
    %add3A_1015 = arith.constant 43 : i32
    %add3A_1016 = arith.addi %mul3A_1014, %add3A_1015 : i32
    %broadcast_in_dim3A_1017 = vector.broadcast %add3A_1016 : i32 to vector<1024x128xi32>
    %select_n3A_1018 = arith.select %lt3A_1011, %broadcast_in_dim3A_1017, %select_n3A_995 : vector<1024x128xi1>, vector<1024x128xi32>
    %get3A_1019 = arith.constant 0 : index
    %get3A_1020 = arith.constant 0 : index
    %get3A_1021 = arith.constant 5632 : index
    %get3A_1022 = vector.load %arg4[%get3A_1019, %get3A_1020, %get3A_1021] : memref<1x40x8192xf32, #tpu.memory_space<vmem>>, vector<1x32x128xf32>
    %get3A_1023 = vector.shape_cast %get3A_1022 : vector<1x32x128xf32> to vector<32x128xf32>
    %dot_general3A_1024 = arith.constant dense<0.000000e+00> : vector<1024x128xf32>
    %dot_general3A_1025 = tpu.matmul %get3A_3, %get3A_1023, %dot_general3A_1024 {dimension_numbers = #tpu.dot_dimension_numbers<[1], [0], [0], [1], [0, 0, 1, 1], [], []>, transpose_lhs_hint = false} : vector<1024x32xf32>, vector<32x128xf32>, vector<1024x128xf32> -> vector<1024x128xf32>
    %get3A_1026 = arith.constant 0 : index
    %get3A_1027 = arith.constant 33 : index
    %get3A_1028 = arith.constant 5632 : index
    %get3A_1029 = vector.load %arg4[%get3A_1026, %get3A_1027, %get3A_1028] : memref<1x40x8192xf32, #tpu.memory_space<vmem>>, vector<1x1x128xf32>
    %get3A_1030 = vector.shape_cast %get3A_1029 : vector<1x1x128xf32> to vector<1x128xf32>
    %add3A_1031 = arith.addf %get3A_6, %dot_general3A_1025 : vector<1024x128xf32>
    %add3A_1032 = vector.broadcast %get3A_1030 : vector<1x128xf32> to vector<1024x128xf32>
    %add3A_1033 = arith.addf %add3A_1031, %add3A_1032 : vector<1024x128xf32>
    %lt3A_1034 = arith.cmpf olt, %add3A_1033, %select_n3A_1012 : vector<1024x128xf32>
    %select_n3A_1035 = arith.select %lt3A_1034, %add3A_1033, %select_n3A_1012 : vector<1024x128xi1>, vector<1024x128xf32>
    %mul3A_1036 = arith.constant 64 : i32
    %mul3A_1037 = arith.muli %arg1, %mul3A_1036 : i32
    %add3A_1038 = arith.constant 44 : i32
    %add3A_1039 = arith.addi %mul3A_1037, %add3A_1038 : i32
    %broadcast_in_dim3A_1040 = vector.broadcast %add3A_1039 : i32 to vector<1024x128xi32>
    %select_n3A_1041 = arith.select %lt3A_1034, %broadcast_in_dim3A_1040, %select_n3A_1018 : vector<1024x128xi1>, vector<1024x128xi32>
    %get3A_1042 = arith.constant 0 : index
    %get3A_1043 = arith.constant 0 : index
    %get3A_1044 = arith.constant 5760 : index
    %get3A_1045 = vector.load %arg4[%get3A_1042, %get3A_1043, %get3A_1044] : memref<1x40x8192xf32, #tpu.memory_space<vmem>>, vector<1x32x128xf32>
    %get3A_1046 = vector.shape_cast %get3A_1045 : vector<1x32x128xf32> to vector<32x128xf32>
    %dot_general3A_1047 = arith.constant dense<0.000000e+00> : vector<1024x128xf32>
    %dot_general3A_1048 = tpu.matmul %get3A_3, %get3A_1046, %dot_general3A_1047 {dimension_numbers = #tpu.dot_dimension_numbers<[1], [0], [0], [1], [0, 0, 1, 1], [], []>, transpose_lhs_hint = false} : vector<1024x32xf32>, vector<32x128xf32>, vector<1024x128xf32> -> vector<1024x128xf32>
    %get3A_1049 = arith.constant 0 : index
    %get3A_1050 = arith.constant 33 : index
    %get3A_1051 = arith.constant 5760 : index
    %get3A_1052 = vector.load %arg4[%get3A_1049, %get3A_1050, %get3A_1051] : memref<1x40x8192xf32, #tpu.memory_space<vmem>>, vector<1x1x128xf32>
    %get3A_1053 = vector.shape_cast %get3A_1052 : vector<1x1x128xf32> to vector<1x128xf32>
    %add3A_1054 = arith.addf %get3A_6, %dot_general3A_1048 : vector<1024x128xf32>
    %add3A_1055 = vector.broadcast %get3A_1053 : vector<1x128xf32> to vector<1024x128xf32>
    %add3A_1056 = arith.addf %add3A_1054, %add3A_1055 : vector<1024x128xf32>
    %lt3A_1057 = arith.cmpf olt, %add3A_1056, %select_n3A_1035 : vector<1024x128xf32>
    %select_n3A_1058 = arith.select %lt3A_1057, %add3A_1056, %select_n3A_1035 : vector<1024x128xi1>, vector<1024x128xf32>
    %mul3A_1059 = arith.constant 64 : i32
    %mul3A_1060 = arith.muli %arg1, %mul3A_1059 : i32
    %add3A_1061 = arith.constant 45 : i32
    %add3A_1062 = arith.addi %mul3A_1060, %add3A_1061 : i32
    %broadcast_in_dim3A_1063 = vector.broadcast %add3A_1062 : i32 to vector<1024x128xi32>
    %select_n3A_1064 = arith.select %lt3A_1057, %broadcast_in_dim3A_1063, %select_n3A_1041 : vector<1024x128xi1>, vector<1024x128xi32>
    %get3A_1065 = arith.constant 0 : index
    %get3A_1066 = arith.constant 0 : index
    %get3A_1067 = arith.constant 5888 : index
    %get3A_1068 = vector.load %arg4[%get3A_1065, %get3A_1066, %get3A_1067] : memref<1x40x8192xf32, #tpu.memory_space<vmem>>, vector<1x32x128xf32>
    %get3A_1069 = vector.shape_cast %get3A_1068 : vector<1x32x128xf32> to vector<32x128xf32>
    %dot_general3A_1070 = arith.constant dense<0.000000e+00> : vector<1024x128xf32>
    %dot_general3A_1071 = tpu.matmul %get3A_3, %get3A_1069, %dot_general3A_1070 {dimension_numbers = #tpu.dot_dimension_numbers<[1], [0], [0], [1], [0, 0, 1, 1], [], []>, transpose_lhs_hint = false} : vector<1024x32xf32>, vector<32x128xf32>, vector<1024x128xf32> -> vector<1024x128xf32>
    %get3A_1072 = arith.constant 0 : index
    %get3A_1073 = arith.constant 33 : index
    %get3A_1074 = arith.constant 5888 : index
    %get3A_1075 = vector.load %arg4[%get3A_1072, %get3A_1073, %get3A_1074] : memref<1x40x8192xf32, #tpu.memory_space<vmem>>, vector<1x1x128xf32>
    %get3A_1076 = vector.shape_cast %get3A_1075 : vector<1x1x128xf32> to vector<1x128xf32>
    %add3A_1077 = arith.addf %get3A_6, %dot_general3A_1071 : vector<1024x128xf32>
    %add3A_1078 = vector.broadcast %get3A_1076 : vector<1x128xf32> to vector<1024x128xf32>
    %add3A_1079 = arith.addf %add3A_1077, %add3A_1078 : vector<1024x128xf32>
    %lt3A_1080 = arith.cmpf olt, %add3A_1079, %select_n3A_1058 : vector<1024x128xf32>
    %select_n3A_1081 = arith.select %lt3A_1080, %add3A_1079, %select_n3A_1058 : vector<1024x128xi1>, vector<1024x128xf32>
    %mul3A_1082 = arith.constant 64 : i32
    %mul3A_1083 = arith.muli %arg1, %mul3A_1082 : i32
    %add3A_1084 = arith.constant 46 : i32
    %add3A_1085 = arith.addi %mul3A_1083, %add3A_1084 : i32
    %broadcast_in_dim3A_1086 = vector.broadcast %add3A_1085 : i32 to vector<1024x128xi32>
    %select_n3A_1087 = arith.select %lt3A_1080, %broadcast_in_dim3A_1086, %select_n3A_1064 : vector<1024x128xi1>, vector<1024x128xi32>
    %get3A_1088 = arith.constant 0 : index
    %get3A_1089 = arith.constant 0 : index
    %get3A_1090 = arith.constant 6016 : index
    %get3A_1091 = vector.load %arg4[%get3A_1088, %get3A_1089, %get3A_1090] : memref<1x40x8192xf32, #tpu.memory_space<vmem>>, vector<1x32x128xf32>
    %get3A_1092 = vector.shape_cast %get3A_1091 : vector<1x32x128xf32> to vector<32x128xf32>
    %dot_general3A_1093 = arith.constant dense<0.000000e+00> : vector<1024x128xf32>
    %dot_general3A_1094 = tpu.matmul %get3A_3, %get3A_1092, %dot_general3A_1093 {dimension_numbers = #tpu.dot_dimension_numbers<[1], [0], [0], [1], [0, 0, 1, 1], [], []>, transpose_lhs_hint = false} : vector<1024x32xf32>, vector<32x128xf32>, vector<1024x128xf32> -> vector<1024x128xf32>
    %get3A_1095 = arith.constant 0 : index
    %get3A_1096 = arith.constant 33 : index
    %get3A_1097 = arith.constant 6016 : index
    %get3A_1098 = vector.load %arg4[%get3A_1095, %get3A_1096, %get3A_1097] : memref<1x40x8192xf32, #tpu.memory_space<vmem>>, vector<1x1x128xf32>
    %get3A_1099 = vector.shape_cast %get3A_1098 : vector<1x1x128xf32> to vector<1x128xf32>
    %add3A_1100 = arith.addf %get3A_6, %dot_general3A_1094 : vector<1024x128xf32>
    %add3A_1101 = vector.broadcast %get3A_1099 : vector<1x128xf32> to vector<1024x128xf32>
    %add3A_1102 = arith.addf %add3A_1100, %add3A_1101 : vector<1024x128xf32>
    %lt3A_1103 = arith.cmpf olt, %add3A_1102, %select_n3A_1081 : vector<1024x128xf32>
    %select_n3A_1104 = arith.select %lt3A_1103, %add3A_1102, %select_n3A_1081 : vector<1024x128xi1>, vector<1024x128xf32>
    %mul3A_1105 = arith.constant 64 : i32
    %mul3A_1106 = arith.muli %arg1, %mul3A_1105 : i32
    %add3A_1107 = arith.constant 47 : i32
    %add3A_1108 = arith.addi %mul3A_1106, %add3A_1107 : i32
    %broadcast_in_dim3A_1109 = vector.broadcast %add3A_1108 : i32 to vector<1024x128xi32>
    %select_n3A_1110 = arith.select %lt3A_1103, %broadcast_in_dim3A_1109, %select_n3A_1087 : vector<1024x128xi1>, vector<1024x128xi32>
    %get3A_1111 = arith.constant 0 : index
    %get3A_1112 = arith.constant 0 : index
    %get3A_1113 = arith.constant 6144 : index
    %get3A_1114 = vector.load %arg4[%get3A_1111, %get3A_1112, %get3A_1113] : memref<1x40x8192xf32, #tpu.memory_space<vmem>>, vector<1x32x128xf32>
    %get3A_1115 = vector.shape_cast %get3A_1114 : vector<1x32x128xf32> to vector<32x128xf32>
    %dot_general3A_1116 = arith.constant dense<0.000000e+00> : vector<1024x128xf32>
    %dot_general3A_1117 = tpu.matmul %get3A_3, %get3A_1115, %dot_general3A_1116 {dimension_numbers = #tpu.dot_dimension_numbers<[1], [0], [0], [1], [0, 0, 1, 1], [], []>, transpose_lhs_hint = false} : vector<1024x32xf32>, vector<32x128xf32>, vector<1024x128xf32> -> vector<1024x128xf32>
    %get3A_1118 = arith.constant 0 : index
    %get3A_1119 = arith.constant 33 : index
    %get3A_1120 = arith.constant 6144 : index
    %get3A_1121 = vector.load %arg4[%get3A_1118, %get3A_1119, %get3A_1120] : memref<1x40x8192xf32, #tpu.memory_space<vmem>>, vector<1x1x128xf32>
    %get3A_1122 = vector.shape_cast %get3A_1121 : vector<1x1x128xf32> to vector<1x128xf32>
    %add3A_1123 = arith.addf %get3A_6, %dot_general3A_1117 : vector<1024x128xf32>
    %add3A_1124 = vector.broadcast %get3A_1122 : vector<1x128xf32> to vector<1024x128xf32>
    %add3A_1125 = arith.addf %add3A_1123, %add3A_1124 : vector<1024x128xf32>
    %lt3A_1126 = arith.cmpf olt, %add3A_1125, %select_n3A_1104 : vector<1024x128xf32>
    %select_n3A_1127 = arith.select %lt3A_1126, %add3A_1125, %select_n3A_1104 : vector<1024x128xi1>, vector<1024x128xf32>
    %mul3A_1128 = arith.constant 64 : i32
    %mul3A_1129 = arith.muli %arg1, %mul3A_1128 : i32
    %add3A_1130 = arith.constant 48 : i32
    %add3A_1131 = arith.addi %mul3A_1129, %add3A_1130 : i32
    %broadcast_in_dim3A_1132 = vector.broadcast %add3A_1131 : i32 to vector<1024x128xi32>
    %select_n3A_1133 = arith.select %lt3A_1126, %broadcast_in_dim3A_1132, %select_n3A_1110 : vector<1024x128xi1>, vector<1024x128xi32>
    %get3A_1134 = arith.constant 0 : index
    %get3A_1135 = arith.constant 0 : index
    %get3A_1136 = arith.constant 6272 : index
    %get3A_1137 = vector.load %arg4[%get3A_1134, %get3A_1135, %get3A_1136] : memref<1x40x8192xf32, #tpu.memory_space<vmem>>, vector<1x32x128xf32>
    %get3A_1138 = vector.shape_cast %get3A_1137 : vector<1x32x128xf32> to vector<32x128xf32>
    %dot_general3A_1139 = arith.constant dense<0.000000e+00> : vector<1024x128xf32>
    %dot_general3A_1140 = tpu.matmul %get3A_3, %get3A_1138, %dot_general3A_1139 {dimension_numbers = #tpu.dot_dimension_numbers<[1], [0], [0], [1], [0, 0, 1, 1], [], []>, transpose_lhs_hint = false} : vector<1024x32xf32>, vector<32x128xf32>, vector<1024x128xf32> -> vector<1024x128xf32>
    %get3A_1141 = arith.constant 0 : index
    %get3A_1142 = arith.constant 33 : index
    %get3A_1143 = arith.constant 6272 : index
    %get3A_1144 = vector.load %arg4[%get3A_1141, %get3A_1142, %get3A_1143] : memref<1x40x8192xf32, #tpu.memory_space<vmem>>, vector<1x1x128xf32>
    %get3A_1145 = vector.shape_cast %get3A_1144 : vector<1x1x128xf32> to vector<1x128xf32>
    %add3A_1146 = arith.addf %get3A_6, %dot_general3A_1140 : vector<1024x128xf32>
    %add3A_1147 = vector.broadcast %get3A_1145 : vector<1x128xf32> to vector<1024x128xf32>
    %add3A_1148 = arith.addf %add3A_1146, %add3A_1147 : vector<1024x128xf32>
    %lt3A_1149 = arith.cmpf olt, %add3A_1148, %select_n3A_1127 : vector<1024x128xf32>
    %select_n3A_1150 = arith.select %lt3A_1149, %add3A_1148, %select_n3A_1127 : vector<1024x128xi1>, vector<1024x128xf32>
    %mul3A_1151 = arith.constant 64 : i32
    %mul3A_1152 = arith.muli %arg1, %mul3A_1151 : i32
    %add3A_1153 = arith.constant 49 : i32
    %add3A_1154 = arith.addi %mul3A_1152, %add3A_1153 : i32
    %broadcast_in_dim3A_1155 = vector.broadcast %add3A_1154 : i32 to vector<1024x128xi32>
    %select_n3A_1156 = arith.select %lt3A_1149, %broadcast_in_dim3A_1155, %select_n3A_1133 : vector<1024x128xi1>, vector<1024x128xi32>
    %get3A_1157 = arith.constant 0 : index
    %get3A_1158 = arith.constant 0 : index
    %get3A_1159 = arith.constant 6400 : index
    %get3A_1160 = vector.load %arg4[%get3A_1157, %get3A_1158, %get3A_1159] : memref<1x40x8192xf32, #tpu.memory_space<vmem>>, vector<1x32x128xf32>
    %get3A_1161 = vector.shape_cast %get3A_1160 : vector<1x32x128xf32> to vector<32x128xf32>
    %dot_general3A_1162 = arith.constant dense<0.000000e+00> : vector<1024x128xf32>
    %dot_general3A_1163 = tpu.matmul %get3A_3, %get3A_1161, %dot_general3A_1162 {dimension_numbers = #tpu.dot_dimension_numbers<[1], [0], [0], [1], [0, 0, 1, 1], [], []>, transpose_lhs_hint = false} : vector<1024x32xf32>, vector<32x128xf32>, vector<1024x128xf32> -> vector<1024x128xf32>
    %get3A_1164 = arith.constant 0 : index
    %get3A_1165 = arith.constant 33 : index
    %get3A_1166 = arith.constant 6400 : index
    %get3A_1167 = vector.load %arg4[%get3A_1164, %get3A_1165, %get3A_1166] : memref<1x40x8192xf32, #tpu.memory_space<vmem>>, vector<1x1x128xf32>
    %get3A_1168 = vector.shape_cast %get3A_1167 : vector<1x1x128xf32> to vector<1x128xf32>
    %add3A_1169 = arith.addf %get3A_6, %dot_general3A_1163 : vector<1024x128xf32>
    %add3A_1170 = vector.broadcast %get3A_1168 : vector<1x128xf32> to vector<1024x128xf32>
    %add3A_1171 = arith.addf %add3A_1169, %add3A_1170 : vector<1024x128xf32>
    %lt3A_1172 = arith.cmpf olt, %add3A_1171, %select_n3A_1150 : vector<1024x128xf32>
    %select_n3A_1173 = arith.select %lt3A_1172, %add3A_1171, %select_n3A_1150 : vector<1024x128xi1>, vector<1024x128xf32>
    %mul3A_1174 = arith.constant 64 : i32
    %mul3A_1175 = arith.muli %arg1, %mul3A_1174 : i32
    %add3A_1176 = arith.constant 50 : i32
    %add3A_1177 = arith.addi %mul3A_1175, %add3A_1176 : i32
    %broadcast_in_dim3A_1178 = vector.broadcast %add3A_1177 : i32 to vector<1024x128xi32>
    %select_n3A_1179 = arith.select %lt3A_1172, %broadcast_in_dim3A_1178, %select_n3A_1156 : vector<1024x128xi1>, vector<1024x128xi32>
    %get3A_1180 = arith.constant 0 : index
    %get3A_1181 = arith.constant 0 : index
    %get3A_1182 = arith.constant 6528 : index
    %get3A_1183 = vector.load %arg4[%get3A_1180, %get3A_1181, %get3A_1182] : memref<1x40x8192xf32, #tpu.memory_space<vmem>>, vector<1x32x128xf32>
    %get3A_1184 = vector.shape_cast %get3A_1183 : vector<1x32x128xf32> to vector<32x128xf32>
    %dot_general3A_1185 = arith.constant dense<0.000000e+00> : vector<1024x128xf32>
    %dot_general3A_1186 = tpu.matmul %get3A_3, %get3A_1184, %dot_general3A_1185 {dimension_numbers = #tpu.dot_dimension_numbers<[1], [0], [0], [1], [0, 0, 1, 1], [], []>, transpose_lhs_hint = false} : vector<1024x32xf32>, vector<32x128xf32>, vector<1024x128xf32> -> vector<1024x128xf32>
    %get3A_1187 = arith.constant 0 : index
    %get3A_1188 = arith.constant 33 : index
    %get3A_1189 = arith.constant 6528 : index
    %get3A_1190 = vector.load %arg4[%get3A_1187, %get3A_1188, %get3A_1189] : memref<1x40x8192xf32, #tpu.memory_space<vmem>>, vector<1x1x128xf32>
    %get3A_1191 = vector.shape_cast %get3A_1190 : vector<1x1x128xf32> to vector<1x128xf32>
    %add3A_1192 = arith.addf %get3A_6, %dot_general3A_1186 : vector<1024x128xf32>
    %add3A_1193 = vector.broadcast %get3A_1191 : vector<1x128xf32> to vector<1024x128xf32>
    %add3A_1194 = arith.addf %add3A_1192, %add3A_1193 : vector<1024x128xf32>
    %lt3A_1195 = arith.cmpf olt, %add3A_1194, %select_n3A_1173 : vector<1024x128xf32>
    %select_n3A_1196 = arith.select %lt3A_1195, %add3A_1194, %select_n3A_1173 : vector<1024x128xi1>, vector<1024x128xf32>
    %mul3A_1197 = arith.constant 64 : i32
    %mul3A_1198 = arith.muli %arg1, %mul3A_1197 : i32
    %add3A_1199 = arith.constant 51 : i32
    %add3A_1200 = arith.addi %mul3A_1198, %add3A_1199 : i32
    %broadcast_in_dim3A_1201 = vector.broadcast %add3A_1200 : i32 to vector<1024x128xi32>
    %select_n3A_1202 = arith.select %lt3A_1195, %broadcast_in_dim3A_1201, %select_n3A_1179 : vector<1024x128xi1>, vector<1024x128xi32>
    %get3A_1203 = arith.constant 0 : index
    %get3A_1204 = arith.constant 0 : index
    %get3A_1205 = arith.constant 6656 : index
    %get3A_1206 = vector.load %arg4[%get3A_1203, %get3A_1204, %get3A_1205] : memref<1x40x8192xf32, #tpu.memory_space<vmem>>, vector<1x32x128xf32>
    %get3A_1207 = vector.shape_cast %get3A_1206 : vector<1x32x128xf32> to vector<32x128xf32>
    %dot_general3A_1208 = arith.constant dense<0.000000e+00> : vector<1024x128xf32>
    %dot_general3A_1209 = tpu.matmul %get3A_3, %get3A_1207, %dot_general3A_1208 {dimension_numbers = #tpu.dot_dimension_numbers<[1], [0], [0], [1], [0, 0, 1, 1], [], []>, transpose_lhs_hint = false} : vector<1024x32xf32>, vector<32x128xf32>, vector<1024x128xf32> -> vector<1024x128xf32>
    %get3A_1210 = arith.constant 0 : index
    %get3A_1211 = arith.constant 33 : index
    %get3A_1212 = arith.constant 6656 : index
    %get3A_1213 = vector.load %arg4[%get3A_1210, %get3A_1211, %get3A_1212] : memref<1x40x8192xf32, #tpu.memory_space<vmem>>, vector<1x1x128xf32>
    %get3A_1214 = vector.shape_cast %get3A_1213 : vector<1x1x128xf32> to vector<1x128xf32>
    %add3A_1215 = arith.addf %get3A_6, %dot_general3A_1209 : vector<1024x128xf32>
    %add3A_1216 = vector.broadcast %get3A_1214 : vector<1x128xf32> to vector<1024x128xf32>
    %add3A_1217 = arith.addf %add3A_1215, %add3A_1216 : vector<1024x128xf32>
    %lt3A_1218 = arith.cmpf olt, %add3A_1217, %select_n3A_1196 : vector<1024x128xf32>
    %select_n3A_1219 = arith.select %lt3A_1218, %add3A_1217, %select_n3A_1196 : vector<1024x128xi1>, vector<1024x128xf32>
    %mul3A_1220 = arith.constant 64 : i32
    %mul3A_1221 = arith.muli %arg1, %mul3A_1220 : i32
    %add3A_1222 = arith.constant 52 : i32
    %add3A_1223 = arith.addi %mul3A_1221, %add3A_1222 : i32
    %broadcast_in_dim3A_1224 = vector.broadcast %add3A_1223 : i32 to vector<1024x128xi32>
    %select_n3A_1225 = arith.select %lt3A_1218, %broadcast_in_dim3A_1224, %select_n3A_1202 : vector<1024x128xi1>, vector<1024x128xi32>
    %get3A_1226 = arith.constant 0 : index
    %get3A_1227 = arith.constant 0 : index
    %get3A_1228 = arith.constant 6784 : index
    %get3A_1229 = vector.load %arg4[%get3A_1226, %get3A_1227, %get3A_1228] : memref<1x40x8192xf32, #tpu.memory_space<vmem>>, vector<1x32x128xf32>
    %get3A_1230 = vector.shape_cast %get3A_1229 : vector<1x32x128xf32> to vector<32x128xf32>
    %dot_general3A_1231 = arith.constant dense<0.000000e+00> : vector<1024x128xf32>
    %dot_general3A_1232 = tpu.matmul %get3A_3, %get3A_1230, %dot_general3A_1231 {dimension_numbers = #tpu.dot_dimension_numbers<[1], [0], [0], [1], [0, 0, 1, 1], [], []>, transpose_lhs_hint = false} : vector<1024x32xf32>, vector<32x128xf32>, vector<1024x128xf32> -> vector<1024x128xf32>
    %get3A_1233 = arith.constant 0 : index
    %get3A_1234 = arith.constant 33 : index
    %get3A_1235 = arith.constant 6784 : index
    %get3A_1236 = vector.load %arg4[%get3A_1233, %get3A_1234, %get3A_1235] : memref<1x40x8192xf32, #tpu.memory_space<vmem>>, vector<1x1x128xf32>
    %get3A_1237 = vector.shape_cast %get3A_1236 : vector<1x1x128xf32> to vector<1x128xf32>
    %add3A_1238 = arith.addf %get3A_6, %dot_general3A_1232 : vector<1024x128xf32>
    %add3A_1239 = vector.broadcast %get3A_1237 : vector<1x128xf32> to vector<1024x128xf32>
    %add3A_1240 = arith.addf %add3A_1238, %add3A_1239 : vector<1024x128xf32>
    %lt3A_1241 = arith.cmpf olt, %add3A_1240, %select_n3A_1219 : vector<1024x128xf32>
    %select_n3A_1242 = arith.select %lt3A_1241, %add3A_1240, %select_n3A_1219 : vector<1024x128xi1>, vector<1024x128xf32>
    %mul3A_1243 = arith.constant 64 : i32
    %mul3A_1244 = arith.muli %arg1, %mul3A_1243 : i32
    %add3A_1245 = arith.constant 53 : i32
    %add3A_1246 = arith.addi %mul3A_1244, %add3A_1245 : i32
    %broadcast_in_dim3A_1247 = vector.broadcast %add3A_1246 : i32 to vector<1024x128xi32>
    %select_n3A_1248 = arith.select %lt3A_1241, %broadcast_in_dim3A_1247, %select_n3A_1225 : vector<1024x128xi1>, vector<1024x128xi32>
    %get3A_1249 = arith.constant 0 : index
    %get3A_1250 = arith.constant 0 : index
    %get3A_1251 = arith.constant 6912 : index
    %get3A_1252 = vector.load %arg4[%get3A_1249, %get3A_1250, %get3A_1251] : memref<1x40x8192xf32, #tpu.memory_space<vmem>>, vector<1x32x128xf32>
    %get3A_1253 = vector.shape_cast %get3A_1252 : vector<1x32x128xf32> to vector<32x128xf32>
    %dot_general3A_1254 = arith.constant dense<0.000000e+00> : vector<1024x128xf32>
    %dot_general3A_1255 = tpu.matmul %get3A_3, %get3A_1253, %dot_general3A_1254 {dimension_numbers = #tpu.dot_dimension_numbers<[1], [0], [0], [1], [0, 0, 1, 1], [], []>, transpose_lhs_hint = false} : vector<1024x32xf32>, vector<32x128xf32>, vector<1024x128xf32> -> vector<1024x128xf32>
    %get3A_1256 = arith.constant 0 : index
    %get3A_1257 = arith.constant 33 : index
    %get3A_1258 = arith.constant 6912 : index
    %get3A_1259 = vector.load %arg4[%get3A_1256, %get3A_1257, %get3A_1258] : memref<1x40x8192xf32, #tpu.memory_space<vmem>>, vector<1x1x128xf32>
    %get3A_1260 = vector.shape_cast %get3A_1259 : vector<1x1x128xf32> to vector<1x128xf32>
    %add3A_1261 = arith.addf %get3A_6, %dot_general3A_1255 : vector<1024x128xf32>
    %add3A_1262 = vector.broadcast %get3A_1260 : vector<1x128xf32> to vector<1024x128xf32>
    %add3A_1263 = arith.addf %add3A_1261, %add3A_1262 : vector<1024x128xf32>
    %lt3A_1264 = arith.cmpf olt, %add3A_1263, %select_n3A_1242 : vector<1024x128xf32>
    %select_n3A_1265 = arith.select %lt3A_1264, %add3A_1263, %select_n3A_1242 : vector<1024x128xi1>, vector<1024x128xf32>
    %mul3A_1266 = arith.constant 64 : i32
    %mul3A_1267 = arith.muli %arg1, %mul3A_1266 : i32
    %add3A_1268 = arith.constant 54 : i32
    %add3A_1269 = arith.addi %mul3A_1267, %add3A_1268 : i32
    %broadcast_in_dim3A_1270 = vector.broadcast %add3A_1269 : i32 to vector<1024x128xi32>
    %select_n3A_1271 = arith.select %lt3A_1264, %broadcast_in_dim3A_1270, %select_n3A_1248 : vector<1024x128xi1>, vector<1024x128xi32>
    %get3A_1272 = arith.constant 0 : index
    %get3A_1273 = arith.constant 0 : index
    %get3A_1274 = arith.constant 7040 : index
    %get3A_1275 = vector.load %arg4[%get3A_1272, %get3A_1273, %get3A_1274] : memref<1x40x8192xf32, #tpu.memory_space<vmem>>, vector<1x32x128xf32>
    %get3A_1276 = vector.shape_cast %get3A_1275 : vector<1x32x128xf32> to vector<32x128xf32>
    %dot_general3A_1277 = arith.constant dense<0.000000e+00> : vector<1024x128xf32>
    %dot_general3A_1278 = tpu.matmul %get3A_3, %get3A_1276, %dot_general3A_1277 {dimension_numbers = #tpu.dot_dimension_numbers<[1], [0], [0], [1], [0, 0, 1, 1], [], []>, transpose_lhs_hint = false} : vector<1024x32xf32>, vector<32x128xf32>, vector<1024x128xf32> -> vector<1024x128xf32>
    %get3A_1279 = arith.constant 0 : index
    %get3A_1280 = arith.constant 33 : index
    %get3A_1281 = arith.constant 7040 : index
    %get3A_1282 = vector.load %arg4[%get3A_1279, %get3A_1280, %get3A_1281] : memref<1x40x8192xf32, #tpu.memory_space<vmem>>, vector<1x1x128xf32>
    %get3A_1283 = vector.shape_cast %get3A_1282 : vector<1x1x128xf32> to vector<1x128xf32>
    %add3A_1284 = arith.addf %get3A_6, %dot_general3A_1278 : vector<1024x128xf32>
    %add3A_1285 = vector.broadcast %get3A_1283 : vector<1x128xf32> to vector<1024x128xf32>
    %add3A_1286 = arith.addf %add3A_1284, %add3A_1285 : vector<1024x128xf32>
    %lt3A_1287 = arith.cmpf olt, %add3A_1286, %select_n3A_1265 : vector<1024x128xf32>
    %select_n3A_1288 = arith.select %lt3A_1287, %add3A_1286, %select_n3A_1265 : vector<1024x128xi1>, vector<1024x128xf32>
    %mul3A_1289 = arith.constant 64 : i32
    %mul3A_1290 = arith.muli %arg1, %mul3A_1289 : i32
    %add3A_1291 = arith.constant 55 : i32
    %add3A_1292 = arith.addi %mul3A_1290, %add3A_1291 : i32
    %broadcast_in_dim3A_1293 = vector.broadcast %add3A_1292 : i32 to vector<1024x128xi32>
    %select_n3A_1294 = arith.select %lt3A_1287, %broadcast_in_dim3A_1293, %select_n3A_1271 : vector<1024x128xi1>, vector<1024x128xi32>
    %get3A_1295 = arith.constant 0 : index
    %get3A_1296 = arith.constant 0 : index
    %get3A_1297 = arith.constant 7168 : index
    %get3A_1298 = vector.load %arg4[%get3A_1295, %get3A_1296, %get3A_1297] : memref<1x40x8192xf32, #tpu.memory_space<vmem>>, vector<1x32x128xf32>
    %get3A_1299 = vector.shape_cast %get3A_1298 : vector<1x32x128xf32> to vector<32x128xf32>
    %dot_general3A_1300 = arith.constant dense<0.000000e+00> : vector<1024x128xf32>
    %dot_general3A_1301 = tpu.matmul %get3A_3, %get3A_1299, %dot_general3A_1300 {dimension_numbers = #tpu.dot_dimension_numbers<[1], [0], [0], [1], [0, 0, 1, 1], [], []>, transpose_lhs_hint = false} : vector<1024x32xf32>, vector<32x128xf32>, vector<1024x128xf32> -> vector<1024x128xf32>
    %get3A_1302 = arith.constant 0 : index
    %get3A_1303 = arith.constant 33 : index
    %get3A_1304 = arith.constant 7168 : index
    %get3A_1305 = vector.load %arg4[%get3A_1302, %get3A_1303, %get3A_1304] : memref<1x40x8192xf32, #tpu.memory_space<vmem>>, vector<1x1x128xf32>
    %get3A_1306 = vector.shape_cast %get3A_1305 : vector<1x1x128xf32> to vector<1x128xf32>
    %add3A_1307 = arith.addf %get3A_6, %dot_general3A_1301 : vector<1024x128xf32>
    %add3A_1308 = vector.broadcast %get3A_1306 : vector<1x128xf32> to vector<1024x128xf32>
    %add3A_1309 = arith.addf %add3A_1307, %add3A_1308 : vector<1024x128xf32>
    %lt3A_1310 = arith.cmpf olt, %add3A_1309, %select_n3A_1288 : vector<1024x128xf32>
    %select_n3A_1311 = arith.select %lt3A_1310, %add3A_1309, %select_n3A_1288 : vector<1024x128xi1>, vector<1024x128xf32>
    %mul3A_1312 = arith.constant 64 : i32
    %mul3A_1313 = arith.muli %arg1, %mul3A_1312 : i32
    %add3A_1314 = arith.constant 56 : i32
    %add3A_1315 = arith.addi %mul3A_1313, %add3A_1314 : i32
    %broadcast_in_dim3A_1316 = vector.broadcast %add3A_1315 : i32 to vector<1024x128xi32>
    %select_n3A_1317 = arith.select %lt3A_1310, %broadcast_in_dim3A_1316, %select_n3A_1294 : vector<1024x128xi1>, vector<1024x128xi32>
    %get3A_1318 = arith.constant 0 : index
    %get3A_1319 = arith.constant 0 : index
    %get3A_1320 = arith.constant 7296 : index
    %get3A_1321 = vector.load %arg4[%get3A_1318, %get3A_1319, %get3A_1320] : memref<1x40x8192xf32, #tpu.memory_space<vmem>>, vector<1x32x128xf32>
    %get3A_1322 = vector.shape_cast %get3A_1321 : vector<1x32x128xf32> to vector<32x128xf32>
    %dot_general3A_1323 = arith.constant dense<0.000000e+00> : vector<1024x128xf32>
    %dot_general3A_1324 = tpu.matmul %get3A_3, %get3A_1322, %dot_general3A_1323 {dimension_numbers = #tpu.dot_dimension_numbers<[1], [0], [0], [1], [0, 0, 1, 1], [], []>, transpose_lhs_hint = false} : vector<1024x32xf32>, vector<32x128xf32>, vector<1024x128xf32> -> vector<1024x128xf32>
    %get3A_1325 = arith.constant 0 : index
    %get3A_1326 = arith.constant 33 : index
    %get3A_1327 = arith.constant 7296 : index
    %get3A_1328 = vector.load %arg4[%get3A_1325, %get3A_1326, %get3A_1327] : memref<1x40x8192xf32, #tpu.memory_space<vmem>>, vector<1x1x128xf32>
    %get3A_1329 = vector.shape_cast %get3A_1328 : vector<1x1x128xf32> to vector<1x128xf32>
    %add3A_1330 = arith.addf %get3A_6, %dot_general3A_1324 : vector<1024x128xf32>
    %add3A_1331 = vector.broadcast %get3A_1329 : vector<1x128xf32> to vector<1024x128xf32>
    %add3A_1332 = arith.addf %add3A_1330, %add3A_1331 : vector<1024x128xf32>
    %lt3A_1333 = arith.cmpf olt, %add3A_1332, %select_n3A_1311 : vector<1024x128xf32>
    %select_n3A_1334 = arith.select %lt3A_1333, %add3A_1332, %select_n3A_1311 : vector<1024x128xi1>, vector<1024x128xf32>
    %mul3A_1335 = arith.constant 64 : i32
    %mul3A_1336 = arith.muli %arg1, %mul3A_1335 : i32
    %add3A_1337 = arith.constant 57 : i32
    %add3A_1338 = arith.addi %mul3A_1336, %add3A_1337 : i32
    %broadcast_in_dim3A_1339 = vector.broadcast %add3A_1338 : i32 to vector<1024x128xi32>
    %select_n3A_1340 = arith.select %lt3A_1333, %broadcast_in_dim3A_1339, %select_n3A_1317 : vector<1024x128xi1>, vector<1024x128xi32>
    %get3A_1341 = arith.constant 0 : index
    %get3A_1342 = arith.constant 0 : index
    %get3A_1343 = arith.constant 7424 : index
    %get3A_1344 = vector.load %arg4[%get3A_1341, %get3A_1342, %get3A_1343] : memref<1x40x8192xf32, #tpu.memory_space<vmem>>, vector<1x32x128xf32>
    %get3A_1345 = vector.shape_cast %get3A_1344 : vector<1x32x128xf32> to vector<32x128xf32>
    %dot_general3A_1346 = arith.constant dense<0.000000e+00> : vector<1024x128xf32>
    %dot_general3A_1347 = tpu.matmul %get3A_3, %get3A_1345, %dot_general3A_1346 {dimension_numbers = #tpu.dot_dimension_numbers<[1], [0], [0], [1], [0, 0, 1, 1], [], []>, transpose_lhs_hint = false} : vector<1024x32xf32>, vector<32x128xf32>, vector<1024x128xf32> -> vector<1024x128xf32>
    %get3A_1348 = arith.constant 0 : index
    %get3A_1349 = arith.constant 33 : index
    %get3A_1350 = arith.constant 7424 : index
    %get3A_1351 = vector.load %arg4[%get3A_1348, %get3A_1349, %get3A_1350] : memref<1x40x8192xf32, #tpu.memory_space<vmem>>, vector<1x1x128xf32>
    %get3A_1352 = vector.shape_cast %get3A_1351 : vector<1x1x128xf32> to vector<1x128xf32>
    %add3A_1353 = arith.addf %get3A_6, %dot_general3A_1347 : vector<1024x128xf32>
    %add3A_1354 = vector.broadcast %get3A_1352 : vector<1x128xf32> to vector<1024x128xf32>
    %add3A_1355 = arith.addf %add3A_1353, %add3A_1354 : vector<1024x128xf32>
    %lt3A_1356 = arith.cmpf olt, %add3A_1355, %select_n3A_1334 : vector<1024x128xf32>
    %select_n3A_1357 = arith.select %lt3A_1356, %add3A_1355, %select_n3A_1334 : vector<1024x128xi1>, vector<1024x128xf32>
    %mul3A_1358 = arith.constant 64 : i32
    %mul3A_1359 = arith.muli %arg1, %mul3A_1358 : i32
    %add3A_1360 = arith.constant 58 : i32
    %add3A_1361 = arith.addi %mul3A_1359, %add3A_1360 : i32
    %broadcast_in_dim3A_1362 = vector.broadcast %add3A_1361 : i32 to vector<1024x128xi32>
    %select_n3A_1363 = arith.select %lt3A_1356, %broadcast_in_dim3A_1362, %select_n3A_1340 : vector<1024x128xi1>, vector<1024x128xi32>
    %get3A_1364 = arith.constant 0 : index
    %get3A_1365 = arith.constant 0 : index
    %get3A_1366 = arith.constant 7552 : index
    %get3A_1367 = vector.load %arg4[%get3A_1364, %get3A_1365, %get3A_1366] : memref<1x40x8192xf32, #tpu.memory_space<vmem>>, vector<1x32x128xf32>
    %get3A_1368 = vector.shape_cast %get3A_1367 : vector<1x32x128xf32> to vector<32x128xf32>
    %dot_general3A_1369 = arith.constant dense<0.000000e+00> : vector<1024x128xf32>
    %dot_general3A_1370 = tpu.matmul %get3A_3, %get3A_1368, %dot_general3A_1369 {dimension_numbers = #tpu.dot_dimension_numbers<[1], [0], [0], [1], [0, 0, 1, 1], [], []>, transpose_lhs_hint = false} : vector<1024x32xf32>, vector<32x128xf32>, vector<1024x128xf32> -> vector<1024x128xf32>
    %get3A_1371 = arith.constant 0 : index
    %get3A_1372 = arith.constant 33 : index
    %get3A_1373 = arith.constant 7552 : index
    %get3A_1374 = vector.load %arg4[%get3A_1371, %get3A_1372, %get3A_1373] : memref<1x40x8192xf32, #tpu.memory_space<vmem>>, vector<1x1x128xf32>
    %get3A_1375 = vector.shape_cast %get3A_1374 : vector<1x1x128xf32> to vector<1x128xf32>
    %add3A_1376 = arith.addf %get3A_6, %dot_general3A_1370 : vector<1024x128xf32>
    %add3A_1377 = vector.broadcast %get3A_1375 : vector<1x128xf32> to vector<1024x128xf32>
    %add3A_1378 = arith.addf %add3A_1376, %add3A_1377 : vector<1024x128xf32>
    %lt3A_1379 = arith.cmpf olt, %add3A_1378, %select_n3A_1357 : vector<1024x128xf32>
    %select_n3A_1380 = arith.select %lt3A_1379, %add3A_1378, %select_n3A_1357 : vector<1024x128xi1>, vector<1024x128xf32>
    %mul3A_1381 = arith.constant 64 : i32
    %mul3A_1382 = arith.muli %arg1, %mul3A_1381 : i32
    %add3A_1383 = arith.constant 59 : i32
    %add3A_1384 = arith.addi %mul3A_1382, %add3A_1383 : i32
    %broadcast_in_dim3A_1385 = vector.broadcast %add3A_1384 : i32 to vector<1024x128xi32>
    %select_n3A_1386 = arith.select %lt3A_1379, %broadcast_in_dim3A_1385, %select_n3A_1363 : vector<1024x128xi1>, vector<1024x128xi32>
    %get3A_1387 = arith.constant 0 : index
    %get3A_1388 = arith.constant 0 : index
    %get3A_1389 = arith.constant 7680 : index
    %get3A_1390 = vector.load %arg4[%get3A_1387, %get3A_1388, %get3A_1389] : memref<1x40x8192xf32, #tpu.memory_space<vmem>>, vector<1x32x128xf32>
    %get3A_1391 = vector.shape_cast %get3A_1390 : vector<1x32x128xf32> to vector<32x128xf32>
    %dot_general3A_1392 = arith.constant dense<0.000000e+00> : vector<1024x128xf32>
    %dot_general3A_1393 = tpu.matmul %get3A_3, %get3A_1391, %dot_general3A_1392 {dimension_numbers = #tpu.dot_dimension_numbers<[1], [0], [0], [1], [0, 0, 1, 1], [], []>, transpose_lhs_hint = false} : vector<1024x32xf32>, vector<32x128xf32>, vector<1024x128xf32> -> vector<1024x128xf32>
    %get3A_1394 = arith.constant 0 : index
    %get3A_1395 = arith.constant 33 : index
    %get3A_1396 = arith.constant 7680 : index
    %get3A_1397 = vector.load %arg4[%get3A_1394, %get3A_1395, %get3A_1396] : memref<1x40x8192xf32, #tpu.memory_space<vmem>>, vector<1x1x128xf32>
    %get3A_1398 = vector.shape_cast %get3A_1397 : vector<1x1x128xf32> to vector<1x128xf32>
    %add3A_1399 = arith.addf %get3A_6, %dot_general3A_1393 : vector<1024x128xf32>
    %add3A_1400 = vector.broadcast %get3A_1398 : vector<1x128xf32> to vector<1024x128xf32>
    %add3A_1401 = arith.addf %add3A_1399, %add3A_1400 : vector<1024x128xf32>
    %lt3A_1402 = arith.cmpf olt, %add3A_1401, %select_n3A_1380 : vector<1024x128xf32>
    %select_n3A_1403 = arith.select %lt3A_1402, %add3A_1401, %select_n3A_1380 : vector<1024x128xi1>, vector<1024x128xf32>
    %mul3A_1404 = arith.constant 64 : i32
    %mul3A_1405 = arith.muli %arg1, %mul3A_1404 : i32
    %add3A_1406 = arith.constant 60 : i32
    %add3A_1407 = arith.addi %mul3A_1405, %add3A_1406 : i32
    %broadcast_in_dim3A_1408 = vector.broadcast %add3A_1407 : i32 to vector<1024x128xi32>
    %select_n3A_1409 = arith.select %lt3A_1402, %broadcast_in_dim3A_1408, %select_n3A_1386 : vector<1024x128xi1>, vector<1024x128xi32>
    %get3A_1410 = arith.constant 0 : index
    %get3A_1411 = arith.constant 0 : index
    %get3A_1412 = arith.constant 7808 : index
    %get3A_1413 = vector.load %arg4[%get3A_1410, %get3A_1411, %get3A_1412] : memref<1x40x8192xf32, #tpu.memory_space<vmem>>, vector<1x32x128xf32>
    %get3A_1414 = vector.shape_cast %get3A_1413 : vector<1x32x128xf32> to vector<32x128xf32>
    %dot_general3A_1415 = arith.constant dense<0.000000e+00> : vector<1024x128xf32>
    %dot_general3A_1416 = tpu.matmul %get3A_3, %get3A_1414, %dot_general3A_1415 {dimension_numbers = #tpu.dot_dimension_numbers<[1], [0], [0], [1], [0, 0, 1, 1], [], []>, transpose_lhs_hint = false} : vector<1024x32xf32>, vector<32x128xf32>, vector<1024x128xf32> -> vector<1024x128xf32>
    %get3A_1417 = arith.constant 0 : index
    %get3A_1418 = arith.constant 33 : index
    %get3A_1419 = arith.constant 7808 : index
    %get3A_1420 = vector.load %arg4[%get3A_1417, %get3A_1418, %get3A_1419] : memref<1x40x8192xf32, #tpu.memory_space<vmem>>, vector<1x1x128xf32>
    %get3A_1421 = vector.shape_cast %get3A_1420 : vector<1x1x128xf32> to vector<1x128xf32>
    %add3A_1422 = arith.addf %get3A_6, %dot_general3A_1416 : vector<1024x128xf32>
    %add3A_1423 = vector.broadcast %get3A_1421 : vector<1x128xf32> to vector<1024x128xf32>
    %add3A_1424 = arith.addf %add3A_1422, %add3A_1423 : vector<1024x128xf32>
    %lt3A_1425 = arith.cmpf olt, %add3A_1424, %select_n3A_1403 : vector<1024x128xf32>
    %select_n3A_1426 = arith.select %lt3A_1425, %add3A_1424, %select_n3A_1403 : vector<1024x128xi1>, vector<1024x128xf32>
    %mul3A_1427 = arith.constant 64 : i32
    %mul3A_1428 = arith.muli %arg1, %mul3A_1427 : i32
    %add3A_1429 = arith.constant 61 : i32
    %add3A_1430 = arith.addi %mul3A_1428, %add3A_1429 : i32
    %broadcast_in_dim3A_1431 = vector.broadcast %add3A_1430 : i32 to vector<1024x128xi32>
    %select_n3A_1432 = arith.select %lt3A_1425, %broadcast_in_dim3A_1431, %select_n3A_1409 : vector<1024x128xi1>, vector<1024x128xi32>
    %get3A_1433 = arith.constant 0 : index
    %get3A_1434 = arith.constant 0 : index
    %get3A_1435 = arith.constant 7936 : index
    %get3A_1436 = vector.load %arg4[%get3A_1433, %get3A_1434, %get3A_1435] : memref<1x40x8192xf32, #tpu.memory_space<vmem>>, vector<1x32x128xf32>
    %get3A_1437 = vector.shape_cast %get3A_1436 : vector<1x32x128xf32> to vector<32x128xf32>
    %dot_general3A_1438 = arith.constant dense<0.000000e+00> : vector<1024x128xf32>
    %dot_general3A_1439 = tpu.matmul %get3A_3, %get3A_1437, %dot_general3A_1438 {dimension_numbers = #tpu.dot_dimension_numbers<[1], [0], [0], [1], [0, 0, 1, 1], [], []>, transpose_lhs_hint = false} : vector<1024x32xf32>, vector<32x128xf32>, vector<1024x128xf32> -> vector<1024x128xf32>
    %get3A_1440 = arith.constant 0 : index
    %get3A_1441 = arith.constant 33 : index
    %get3A_1442 = arith.constant 7936 : index
    %get3A_1443 = vector.load %arg4[%get3A_1440, %get3A_1441, %get3A_1442] : memref<1x40x8192xf32, #tpu.memory_space<vmem>>, vector<1x1x128xf32>
    %get3A_1444 = vector.shape_cast %get3A_1443 : vector<1x1x128xf32> to vector<1x128xf32>
    %add3A_1445 = arith.addf %get3A_6, %dot_general3A_1439 : vector<1024x128xf32>
    %add3A_1446 = vector.broadcast %get3A_1444 : vector<1x128xf32> to vector<1024x128xf32>
    %add3A_1447 = arith.addf %add3A_1445, %add3A_1446 : vector<1024x128xf32>
    %lt3A_1448 = arith.cmpf olt, %add3A_1447, %select_n3A_1426 : vector<1024x128xf32>
    %select_n3A_1449 = arith.select %lt3A_1448, %add3A_1447, %select_n3A_1426 : vector<1024x128xi1>, vector<1024x128xf32>
    %mul3A_1450 = arith.constant 64 : i32
    %mul3A_1451 = arith.muli %arg1, %mul3A_1450 : i32
    %add3A_1452 = arith.constant 62 : i32
    %add3A_1453 = arith.addi %mul3A_1451, %add3A_1452 : i32
    %broadcast_in_dim3A_1454 = vector.broadcast %add3A_1453 : i32 to vector<1024x128xi32>
    %select_n3A_1455 = arith.select %lt3A_1448, %broadcast_in_dim3A_1454, %select_n3A_1432 : vector<1024x128xi1>, vector<1024x128xi32>
    %get3A_1456 = arith.constant 0 : index
    %get3A_1457 = arith.constant 0 : index
    %get3A_1458 = arith.constant 8064 : index
    %get3A_1459 = vector.load %arg4[%get3A_1456, %get3A_1457, %get3A_1458] : memref<1x40x8192xf32, #tpu.memory_space<vmem>>, vector<1x32x128xf32>
    %get3A_1460 = vector.shape_cast %get3A_1459 : vector<1x32x128xf32> to vector<32x128xf32>
    %dot_general3A_1461 = arith.constant dense<0.000000e+00> : vector<1024x128xf32>
    %dot_general3A_1462 = tpu.matmul %get3A_3, %get3A_1460, %dot_general3A_1461 {dimension_numbers = #tpu.dot_dimension_numbers<[1], [0], [0], [1], [0, 0, 1, 1], [], []>, transpose_lhs_hint = false} : vector<1024x32xf32>, vector<32x128xf32>, vector<1024x128xf32> -> vector<1024x128xf32>
    %get3A_1463 = arith.constant 0 : index
    %get3A_1464 = arith.constant 33 : index
    %get3A_1465 = arith.constant 8064 : index
    %get3A_1466 = vector.load %arg4[%get3A_1463, %get3A_1464, %get3A_1465] : memref<1x40x8192xf32, #tpu.memory_space<vmem>>, vector<1x1x128xf32>
    %get3A_1467 = vector.shape_cast %get3A_1466 : vector<1x1x128xf32> to vector<1x128xf32>
    %add3A_1468 = arith.addf %get3A_6, %dot_general3A_1462 : vector<1024x128xf32>
    %add3A_1469 = vector.broadcast %get3A_1467 : vector<1x128xf32> to vector<1024x128xf32>
    %add3A_1470 = arith.addf %add3A_1468, %add3A_1469 : vector<1024x128xf32>
    %lt3A_1471 = arith.cmpf olt, %add3A_1470, %select_n3A_1449 : vector<1024x128xf32>
    %select_n3A_1472 = arith.select %lt3A_1471, %add3A_1470, %select_n3A_1449 : vector<1024x128xi1>, vector<1024x128xf32>
    %mul3A_1473 = arith.constant 64 : i32
    %mul3A_1474 = arith.muli %arg1, %mul3A_1473 : i32
    %add3A_1475 = arith.constant 63 : i32
    %add3A_1476 = arith.addi %mul3A_1474, %add3A_1475 : i32
    %broadcast_in_dim3A_1477 = vector.broadcast %add3A_1476 : i32 to vector<1024x128xi32>
    %select_n3A_1478 = arith.select %lt3A_1471, %broadcast_in_dim3A_1477, %select_n3A_1455 : vector<1024x128xi1>, vector<1024x128xi32>
    %swap3A = arith.constant 0 : index
    %swap3A_1479 = arith.constant 0 : index
    %swap3A_1480 = vector.load %arg8[%swap3A, %swap3A_1479] : memref<1024x128xf32, #tpu.memory_space<vmem>>, vector<1024x128xf32>
    tpu.vector_store %arg8[%swap3A, %swap3A_1479], %select_n3A_1472 {strides = array<i32>} : memref<1024x128xf32, #tpu.memory_space<vmem>>, vector<1024x128xf32>,
    %swap3A_1481 = arith.constant 0 : index
    %swap3A_1482 = arith.constant 0 : index
    %swap3A_1483 = vector.load %arg9[%swap3A_1481, %swap3A_1482] : memref<1024x128xi32, #tpu.memory_space<vmem>>, vector<1024x128xi32>
    tpu.vector_store %arg9[%swap3A_1481, %swap3A_1482], %select_n3A_1478 {strides = array<i32>} : memref<1024x128xi32, #tpu.memory_space<vmem>>, vector<1024x128xi32>,
    %eq3A_1484 = arith.constant 0 : i32
    %eq3A_1485 = arith.cmpi eq, %arg1, %eq3A_1484 : i32
    %convert_element_type3A_1486 = arith.extui %eq3A_1485 : i1 to i32
    %cond3A_1487 = arith.constant 0 : i32
    %cond3A_1488 = arith.cmpi ne, %convert_element_type3A_1486, %cond3A_1487 : i32
    scf.if %cond3A_1488 {
      %iota3A = tpu.iota {dimensions = array<i32: 1>} : vector<1024x128xi32>
      %mul3A_1489 = arith.constant 128 : i32
      %mul3A_1490 = vector.broadcast %mul3A_1489 : i32 to vector<1024x128xi32>
      %mul3A_1491 = arith.muli %select_n3A_1478, %mul3A_1490 : vector<1024x128xi32>
      %add3A_1492 = arith.addi %mul3A_1491, %iota3A : vector<1024x128xi32>
      %reduce_min3A = arith.constant dense<0x7F800000> : vector<1024xf32>
      %reduce_min3A_1493 = vector.multi_reduction <minimumf>, %select_n3A_1472, %reduce_min3A [1] : vector<1024x128xf32> to vector<1024xf32>
      %broadcast_in_dim3A_1494 = vector.shape_cast %reduce_min3A_1493 : vector<1024xf32> to vector<1024x1xf32>
      %eq3A_1495 = vector.broadcast %broadcast_in_dim3A_1494 : vector<1024x1xf32> to vector<1024x128xf32>
      %eq3A_1496 = arith.cmpf oeq, %select_n3A_1472, %eq3A_1495 : vector<1024x128xf32>
      %jit3A = arith.constant 2147483647 : i32
      %broadcast_in_dim3A_1497 = vector.broadcast %jit3A : i32 to vector<1024x128xi32>
      %select_n3A_1498 = arith.select %eq3A_1496, %add3A_1492, %broadcast_in_dim3A_1497 : vector<1024x128xi1>, vector<1024x128xi32>
      %reduce_min3A_1499 = arith.constant dense<2147483647> : vector<1024xi32>
      %reduce_min3A_1500 = vector.multi_reduction <minsi>, %select_n3A_1498, %reduce_min3A_1499 [1] : vector<1024x128xi32> to vector<1024xi32>
      %get3A_1501 = arith.index_cast %arg0 : i32 to index
      %get3A_1502 = memref.load %arg2[%get3A_1501] : memref<8xi32, #tpu.memory_space<smem>>
      %mul3A_1503 = arith.constant 8192 : i32
      %mul3A_1504 = arith.muli %get3A_1502, %mul3A_1503 : i32
      %add3A_1505 = vector.broadcast %mul3A_1504 : i32 to vector<1024xi32>
      %add3A_1506 = arith.addi %reduce_min3A_1500, %add3A_1505 : vector<1024xi32>
      %swap3A_1507 = arith.constant 0 : index
      %swap3A_1508 = arith.constant 0 : index
      %swap3A_1509 = arith.constant 0 : index
      %swap3A_1510 = vector.load %arg5[%swap3A_1507, %swap3A_1508, %swap3A_1509] : memref<1x1024x1xi32, #tpu.memory_space<vmem>>, vector<1x1024x1xi32>
      %swap3A_1511 = vector.shape_cast %swap3A_1510 : vector<1x1024x1xi32> to vector<1024xi32>
      %swap3A_1512 = vector.shape_cast %add3A_1506 : vector<1024xi32> to vector<1x1024x1xi32>
      tpu.vector_store %arg5[%swap3A_1507, %swap3A_1508, %swap3A_1509], %swap3A_1512 {strides = array<i32>} : memref<1x1024x1xi32, #tpu.memory_space<vmem>>, vector<1x1024x1xi32>,
    } else {
    }
    return
  }
  func.func @transform_0(%arg0: i32, %arg1: i32, %arg2: memref<8xi32, #tpu.memory_space<smem>>) -> (i32, i32, i32) {
    %c0_i32 = arith.constant 0 : i32
    %c0_i32_0 = arith.constant 0 : i32
    %c0_i32_1 = arith.constant 0 : i32
    return %arg0, %c0_i32, %c0_i32_0 : i32, i32, i32
  }
  func.func @transform_1(%arg0: i32, %arg1: i32, %arg2: memref<8xi32, #tpu.memory_space<smem>>) -> (i32, i32, i32) {
    %get3A = arith.index_cast %arg0 : i32 to index
    %get3A_0 = memref.load %arg2[%get3A] : memref<8xi32, #tpu.memory_space<smem>>
    %c0_i32 = arith.constant 0 : i32
    %c0_i32_1 = arith.constant 0 : i32
    return %get3A_0, %c0_i32, %arg1 : i32, i32, i32
  }
  func.func @transform_2(%arg0: i32, %arg1: i32, %arg2: memref<8xi32, #tpu.memory_space<smem>>) -> (i32, i32, i32) {
    %c0_i32 = arith.constant 0 : i32
    %c0_i32_0 = arith.constant 0 : i32
    %c0_i32_1 = arith.constant 0 : i32
    return %arg0, %c0_i32, %c0_i32_0 : i32, i32, i32
  }
}

module attributes {stable_mosaic.version = 14 : i64} {
  func.func @_diff_body(%arg0: memref<8192x128xf32, #tpu.memory_space<vmem>>, %arg1: memref<8192x32xf32, #tpu.memory_space<vmem>>, %arg2: memref<8192x32xf32, #tpu.memory_space<vmem>>, %arg3: memref<1x1xf32, #tpu.memory_space<smem>>) attributes {dimension_semantics = [], scalar_prefetch = 0 : i64, scratch_operands = 0 : i64, tpu.core_type = #tpu.core_type<tc>} {
    %get3A = arith.constant 0 : index
    %get3A_0 = arith.constant 0 : index
    %get3A_1 = vector.load %arg0[%get3A, %get3A_0] : memref<8192x128xf32, #tpu.memory_space<vmem>>, vector<8192x32xf32>
    %swap3A = arith.constant 0 : index
    %swap3A_2 = arith.constant 0 : index
    %swap3A_3 = vector.load %arg2[%swap3A, %swap3A_2] : memref<8192x32xf32, #tpu.memory_space<vmem>>, vector<8192x32xf32>
    tpu.vector_store %arg2[%swap3A, %swap3A_2], %get3A_1 {strides = array<i32>} : memref<8192x32xf32, #tpu.memory_space<vmem>>, vector<8192x32xf32>,
    %get3A_4 = arith.constant 0 : index
    %get3A_5 = arith.constant 0 : index
    %get3A_6 = vector.load %arg1[%get3A_4, %get3A_5] : memref<8192x32xf32, #tpu.memory_space<vmem>>, vector<8192x32xf32>
    %sub3A = arith.subf %get3A_1, %get3A_6 : vector<8192x32xf32>
    %mul3A = arith.mulf %sub3A, %sub3A : vector<8192x32xf32>
    %reduce_sum3A = vector.shape_cast %mul3A : vector<8192x32xf32> to vector<1x8192x32xf32>
    %reduce_sum3A_7 = arith.constant dense<0.000000e+00> : vector<1xf32>
    %reduce_sum3A_8 = vector.multi_reduction <add>, %reduce_sum3A, %reduce_sum3A_7 [1, 2] : vector<1x8192x32xf32> to vector<1xf32>
    %reduce_sum3A_9 = vector.shape_cast %reduce_sum3A_8 : vector<1xf32> to vector<1x1x1xf32>
    %reduce_sum3A_10 = vector.extract %reduce_sum3A_9[0, 0, 0] : f32 from vector<1x1x1xf32>
    %div3A = arith.constant 2.621440e+05 : f32
    %div3A_11 = arith.divf %reduce_sum3A_10, %div3A : f32
    %swap3A_12 = arith.constant 0 : index
    %swap3A_13 = arith.constant 0 : index
    %swap3A_14 = memref.load %arg3[%swap3A_12, %swap3A_13] : memref<1x1xf32, #tpu.memory_space<smem>>
    memref.store %div3A_11, %arg3[%swap3A_12, %swap3A_13] : memref<1x1xf32, #tpu.memory_space<smem>>
    return
  }
}

</mosaic_0001>

<sc_bundles>
// kernel: kernel.6.cloned.1.call-start
scs
__scs_entry_jumppad:
0x0: {  	(pc) =	sbr.rel $0x88, $3  }
0x1: {  	(tag) =	ssettag $0x0;
	lr =	simm.s32 $0x1  }
0x2: {  	[smem:$0x3F9D] =	sst lr;
	_ =	strace $0xD0000000  }
0x3: {  	_ = 	snop  }
0x4: {  	_ = 	snop  }
0x5: {  	_ = 	snop  }
0x6: {  	_ = 	snop  }
0x7: {  	_ = 	snop  }
__scs_overlays_trampoline_lowered:
0x8: {  	[smem:$0x3FAC] =	sst s0  }
0x9: {  	[smem:$0x3FAD] =	sst s1  }
0xa: {  	[smem:$0x3FAE] =	sst s2  }
0xb: {  	[smem:$0x3FAF] =	sst s3  }
0xc: {  	[smem:$0x3FB0] =	sst s4  }
0xd: {  	[smem:$0x3FB1] =	sst s5  }
0xe: {  	[smem:$0x3FB2] =	sst s6  }
0xf: {  	[smem:$0x3FB3] =	sst s7  }
0x10: {  	[smem:$0x3FB4] =	sst s8  }
0x11: {  	[smem:$0x3FB5] =	sst s9;
	s0 =	simm.s32 @!p0 $0x0  }
0x12: {  	s1 =	sld [smem:$0x3F9B];
	s0 =	simm.s32 @p0 $0x1  }
0x13: {  	[smem:$0x3FB6] =	sst s0;
	s0 =	simm.s32 @!p1 $0x0  }
0x14: {  	s2 =	sld [smem:$0x3F9A];
	s0 =	simm.s32 @p1 $0x1  }
0x15: {  	[smem:$0x3FB7] =	sst s0;
	s0 =	simm.s32 @!p2 $0x0  }
0x16: {  	s3 =	sld [smem:$0x3FDB];
	s0 =	simm.s32 @p2 $0x1  }
0x17: {  	s4 =	simm.s32 $0x1BF5;
	[smem:$0x3FB9] =	sst s0  }
0x18: {  	s0 =	sld [smem:$0x3F9C];
	_ =	swait.ge [sflag:s4], $0x0  }
0x19: {  	s7 =	sld [smem:$0x3F9D]  }
0x1a: {  	s8 =	sadd.s32 $0xFFFFE003, lr  }
0x1b: {  	s9 =	sadd.s32 $0xFFFFFEF7, lr;
	s5 =	simm.s32 $0xFFFFFFFF;
	p2 =	slt.u32 s8, $0xFFFFF086  }
0x1c: {  	p1 =	slt.u32 s9, $0xF7A;
	s5 =	simm.s32 @!p2 $0x0  }
0x1d: {  	s5 =	simm.s32 @p1 $0x1;
	p0 =	seq.s32 s7, s2  }
0x1e: {  	s7 =	smul.u32 @!p0 $0xF7A, s2;
	p2 =	seq.s32 @!p0 s5, $0x0  }
0x1f: {  	s9 =	smul.u32 $0xF7A, s1;
	s8 =	simm.s32 @!p0 $0x1BF5;
	p2 =	por !p2, p0  }
0x20: {  	[sflag:s8] =	ssyncset.s32 @!p0 $0xFFFFF086;
	s6 =	sadd.s32 @!p0 s3, s7;
	s7 =	simm.s32 @!p0 $0x108  }
0x21: {  	s3 =	sadd.s32 s3, s9;
	s6 =	sadd.s32 @!p0 $0x88, s6;
	s7 =	simm.s32 @p2 $0x1082  }
0x22: {  	[simem:s7], [sflag:s8] =	dma.local @!p0 [hbm:s6], $0xF7A  }
0x23: {  	s9 =	sor.u32 $0xD0000000, s2;
	s6 =	simm.s32 $0x108;
	_ =	swait.ge @!p0 [sflag:s8], $0x0  }
0x24: {  	s3 =	sadd.s32 $0x88, s3;
	s6 =	simm.s32 @!p1 $0x1082;
	[sflag:s4] =	ssyncset.s32 $0xFFFFF086  }
0x25: {  	[simem:s6], [sflag:s4] =	dma.local [hbm:s3], $0xF7A  }
0x26: {  	[smem:$0x3F9D] =	sst s1;
	(tag) =	ssettag s2;
	_ =	strace s9  }
0x27: {  	s1 =	sld [smem:$0x3FAD]  }
0x28: {  	s2 =	sld [smem:$0x3FAE]  }
0x29: {  	s4 =	sld [smem:$0x3FB0]  }
0x2a: {  	p0 =	seq.s32 s5, $0x0;
	s5 =	sld [smem:$0x3FB1]  }
0x2b: {  	s6 =	sld [smem:$0x3FB2]  }
0x2c: {  	s7 =	sld [smem:$0x3FB3]  }
0x2d: {  	s3 =	simm.s32 $0x108;
	s8 =	sld [smem:$0x3FB4]  }
0x2e: {  	s3 =	simm.s32 @!p0 $0x1082;
	s9 =	sld [smem:$0x3FB5]  }
0x2f: {  	lr =	sadd.s32 s0, s3;
	s0 =	sld [smem:$0x3FAC]  }
0x30: {  	s3 =	sld [smem:$0x3FAF]  }
0x31: {  	[smem:$0x3FB8] =	sst s10  }
0x32: {  	s10 =	sld [smem:$0x3FB6];
	_ =	sdelay $0x3  }
0x33: {  	p0 =	seq.s32 s10, $0x1;
	s10 =	sld [smem:$0x3FB8];
	_ =	sdelay $0x3  }
0x34: {  	[smem:$0x3FB8] =	sst s10  }
0x35: {  	s10 =	sld [smem:$0x3FB7];
	_ =	sdelay $0x3  }
0x36: {  	p1 =	seq.s32 s10, $0x1;
	s10 =	sld [smem:$0x3FB8];
	_ =	sdelay $0x3  }
0x37: {  	[smem:$0x3FB8] =	sst s10  }
0x38: {  	s10 =	sld [smem:$0x3FB9]  }
0x39: {  	_ = 	snop;
	(pc) =	sbr.ind lr, $3  }
0x3a: {  	_ = 	snop  }
0x3b: {  	_ = 	snop  }
0x3c: {  	p2 =	seq.s32 s10, $0x1;
	s10 =	sld [smem:$0x3FB8]  }
0x3d: {  	_ =	shalt  }
0x3e: {  	_ =	shalt  }
0x3f: {  	_ =	shalt  }
0x40: {  	_ =	shalt  }
0x41: {  	_ =	shalt  }
0x42: {  	_ =	shalt  }
0x43: {  	_ =	shalt  }
0x44: {  	_ =	shalt  }
0x45: {  	_ =	shalt  }
0x46: {  	_ =	shalt  }
0x47: {  	_ =	shalt  }
0x48: {  	_ =	shalt  }
0x49: {  	_ =	shalt  }
0x4a: {  	_ =	shalt  }
0x4b: {  	_ =	shalt  }
0x4c: {  	_ =	shalt  }
0x4d: {  	_ =	shalt  }
0x4e: {  	_ =	shalt  }
0x4f: {  	_ =	shalt  }
0x50: {  	_ =	shalt  }
0x51: {  	_ =	shalt  }
0x52: {  	_ =	shalt  }
0x53: {  	_ =	shalt  }
0x54: {  	_ =	shalt  }
0x55: {  	_ =	shalt  }
0x56: {  	_ =	shalt  }
0x57: {  	_ =	shalt  }
0x58: {  	_ =	shalt  }
0x59: {  	_ =	shalt  }
0x5a: {  	_ =	shalt  }
0x5b: {  	_ =	shalt  }
0x5c: {  	_ =	shalt  }
0x5d: {  	_ =	shalt  }
0x5e: {  	_ =	shalt  }
0x5f: {  	_ =	shalt  }
0x60: {  	_ =	shalt  }
0x61: {  	_ =	shalt  }
0x62: {  	_ =	shalt  }
0x63: {  	_ =	shalt  }
0x64: {  	_ =	shalt  }
0x65: {  	_ =	shalt  }
0x66: {  	_ =	shalt  }
0x67: {  	_ =	shalt  }
0x68: {  	_ =	shalt  }
0x69: {  	_ =	shalt  }
0x6a: {  	_ =	shalt  }
0x6b: {  	_ =	shalt  }
0x6c: {  	_ =	shalt  }
0x6d: {  	_ =	shalt  }
0x6e: {  	_ =	shalt  }
0x6f: {  	_ =	shalt  }
0x70: {  	_ =	shalt  }
0x71: {  	_ =	shalt  }
0x72: {  	_ =	shalt  }
0x73: {  	_ =	shalt  }
0x74: {  	_ =	shalt  }
0x75: {  	_ =	shalt  }
0x76: {  	_ =	shalt  }
0x77: {  	_ =	shalt  }
0x78: {  	_ =	shalt  }
0x79: {  	_ =	shalt  }
0x7a: {  	_ =	shalt  }
0x7b: {  	_ =	shalt  }
0x7c: {  	_ =	shalt  }
0x7d: {  	_ =	shalt  }
0x7e: {  	_ =	shalt  }
0x7f: {  	_ =	shalt  }
0x80: {  	_ =	shalt  }
0x81: {  	_ =	shalt  }
0x82: {  	_ =	shalt  }
0x83: {  	_ =	shalt  }
0x84: {  	_ =	shalt  }
0x85: {  	_ =	shalt  }
0x86: {  	_ =	shalt  }
0x87: {  	_ =	shalt  }
.Lfunc_end0:
.L_simem_size_0:
called_computation_lowered:
.L_overlay_start_0:
0x88: {  	s2 =	sld [smem:$0x3FD9]  }
0x89: {  	s3 =	sld [smem:$0x3FFE];
	_ =	sdelay $0x1  }
0x8a: {  	s1 =	srdreg.scid  }
0x8b: {  	s0 =	sand.u32 $0x1, s1  }
0x8c: {  	s14 =	sshll.u32 s0, $0xA;
	s2 =	sadd.s32 s3, s2  }
0x8d: {  	s2 =	sadd.s32 s2, s14  }
0x8e: {  	[smem:$0x3FC4] =	sst s2  }
0x8f: {  	_ = 	snop  }
0x90: {  	s2 =	sld [smem:$0x3FD0];
	_ =	sdelay $0x2  }
0x91: {  	s15 =	simm.s32 $0xA;
	s4 =	simm.s32 $0x10  }
0x92: {  	[smem:s4], [sflag:s15] =	dma.local [hbm:s2], $0x1  }
0x93: {  	_ =	swait.eq [sflag:s15], $0x1  }
0x94: {  	[sflag:s15] =	ssyncset.done $0x0  }
0x95: {  	[sflag:s15] =	ssyncadd.s32 $0xFFFFFFFF  }
0x96: {  	s16 =	sld [smem:$0x10];
	(tm) =	ssettm $0x1  }
0x97: {  	s17 =	sld [smem:$0x3FFB];
	_ =	sdelay $0x3  }
0x98: {  	_ =	strace s17  }
0x99: {  	s3 =	sld [smem:$0x3FFC];
	_ =	sdelay $0x3  }
0x9a: {  	_ =	strace s3  }
0x9b: {  	s3 =	sld [smem:$0x3FFD];
	_ =	sdelay $0x3  }
0x9c: {  	_ =	strace s3  }
0x9d: {  	_ =	strace $0x8FFFFFFF  }
0x9e: {  	s18 =	sld [smem:$0x3FDB];
	_ =	sdelay $0x1  }
0x9f: {  	s19 =	simm.s32 $_scs_section_size  }
0xa0: {  	s5 =	simm.s32 $_size__tile_overlayer_lowered;
	s6 =	simm.s32 $_tile_overlayer_lowered  }
0xa1: {  	s22 =	simm.s32 $0x1BFF;
	s21 =	sshll.u32 s6, $0x1;
	s3 =	sadd.s32 s19, s18  }
0xa2: {  	s7 =	simm.s32 $0x0;
	s20 =	sshll.u32 s5, $0x1;
	s5 =	sadd.s32 s21, s3  }
0xa3: {  	[timem:s7], [sflag:s22] =	dma.local [hbm:s5], s20  }
0xa4: {  	_ =	swait.ge [sflag:s22], s20  }
0xa5: {  	s4 =	ssub.s32 $0x0, s20;
	[sflag:s22] =	ssyncset.done $0x0  }
0xa6: {  	[sflag:s22] =	ssyncadd.s32 s4;
	_ =	sdelay $0x1  }
0xa7: {  	s23 =	simm.s32 $0x1B8B  }
0xa8: {  	_ =	swait.ge [sflag:s23], $0x1  }
0xa9: {  	[sflag:s23] =	ssyncset.done $0x0  }
0xaa: {  	s25 =	simm.s32 $0x1B8E;
	s24 =	sld [smem:$0x3FFE];
	[sflag:s23] =	ssyncadd.s32 $0xFFFFFFFF  }
0xab: {  	s26 =	simm.s32 $execute0_lowered;
	[smem:$0x3FD2] =	sst s25  }
0xac: {  	s5 =	sshll.u32 s26, $0x1;
	_ =	strace $0x80000046;
	[dreg:$0x1] =	wrdreg $0xFFFFFFFF  }
0xad: {  	s28 =	simm.s32 $_size_execute0_lowered;
	s3 =	sadd.s32 s3, s5;
	[dreg:$0x0] =	wrdreg $0x0  }
0xae: {  	s5 =	sshll.u32 s28, $0x1;
	[dreg:$0x2] =	wrdreg s3  }
0xaf: {  	[dreg:$0x3] =	wrdreg s5  }
0xb0: {  	[dreg:$0x4] =	wrdreg $0xC0  }
0xb1: {  	_ =	task [dreg:s7], $0x5FFFF  }
0xb2: {  	[dreg:$0x1] =	wrdreg $0xFFFFFFFF  }
0xb3: {  	[dreg:$0x0] =	wrdreg $0x60  }
0xb4: {  	[dreg:$0x2] =	wrdreg s24  }
0xb5: {  	[dreg:$0x3] =	wrdreg s16  }
0xb6: {  	[dreg:$0x4] =	wrdreg $0x9  }
0xb7: {  	_ =	task.clear_ibuf [dreg:s7], $0x5FFFF;
	_ =	strace $0x90000046  }
0xb8: {  	s29 =	simm.s32 $0x9;
	_ =	strace $0x8000004D  }
0xb9: {  	_ =	swait.ge [sflag:s29], $0x1  }
0xba: {  	[sflag:s29] =	ssyncadd.s32 $0xFFFFFFFF  }
0xbb: {  	_ =	strace $0x9000004D  }
0xbc: {  	_ =	sfence  }
0xbd: {  	s30 =	sld [smem:$0x0];
	_ =	sdelay $0x2  }
0xbe: {  	s31 =	sshll.u32 s1, $0xD;
	s1 =	sshrl.u32 s1, $0x2  }
0xbf: {  	s3 =	sand.u32 $0x4000, s31;
	s1 =	sadd.s32 s1, s30  }
0xc0: {  	s0 =	sor.u32 s3, s0;
	s1 =	sshll.u32 s1, $0x11  }
0xc1: {  	s0 =	sor.u32 s1, s0  }
0xc2: {  	s0 =	sadd.s32 $0x8F2B, s0  }
0xc3: {  	[sflag:s0] =	ssyncadd.remote.s32 $0x1  }
0xc4: {  	_ =	sfence.sel $0xFFFF  }
0xc5: {  	[dreg:$0x0] =	wrdreg $0xFFFFFFFF;
	(pc) =	sbr.abs _section_cstart, $3  }
0xc6: {  	[dreg:$0x1] =	wrdreg $0xFFFFFFFF  }
0xc7: {  	_ =	task.clear_ibuf [dreg:s7], $0x2FFFF;
	_ =	strace $0x9FFFFFFF  }
0xc8: {  	(tm) =	ssettm $0x7FFFFFFF  }
0xc9: {  	_ =	shalt  }
tec
execute0_lowered:
.L_overlay_start_1:
0x0: {  	(tag) =	ssettag $0x1  }
0x1: {  	s9 =	rddreg [dreg:$0x0];
	s2 =	srdreg.scid  }
0x2: {  	s3 =	rddreg [dreg:$0x1];
	s1 =	stileid.u32;
	s10 =	sand.u32 $0x1, s2  }
0x3: {  	s2 =	simm.s32 $0x0;
	s5 =	sshll.u32 s1, $0x8;
	s4 =	sshll.u32 s10, $0xC  }
0x4: {  	[smem:$0x7FF] =	sst s2;
	s11 =	sor.u32 s5, s4  }
0x5: {  	s0 =	rddreg [dreg:$0x2];
	_ =	strace $0x80000047;
	s4 =	sshrl.u32 s11, $0x3  }
0x6: {  	_ =	strace $0x80000048;
	s3 =	sadd.s32 s3, s4  }
0x7: {  	[tilespmem:s2], [sflag:$0x1] =	stream.linear.gather [hbm4b:s3+s2], $0x100, $0x200038;
	[tilespmem:$0x10200] =	vst v63  }
0x8: {  	_ =	strace $0x90000048  }
0x9: {  	s4 =	simm.s32 $0x1;
	_ =	strace $0x80000049  }
0xa: {  	_ =	swait.ge [sflag:s4], $0x100  }
0xb: {  	[sflag:s4] =	ssyncset.done $0x0  }
0xc: {  	[sflag:s4] =	ssyncadd.s32 $0xFFFFFF00  }
0xd: {  	s6 =	simm.s32 $0x100;
	s7 =	simm.s32 $0x200;
	_ =	strace $0x90000049  }
0xe: {  	s8 =	simm.s32 $0x5;
	s5 =	sadd.s32 $0xC00, s9;
	_ =	strace $0x8000004A  }
0xf: {  	[tilespmem:s7], [sflag:$0x5] =	stream.indirect.gather [hbm4b:s5+s6], $0x80, s2, s6, $0x2000b8;
	[tilespmem:$0x10200] =	vst v63  }
0x10: {  	s10 =	ssub.s32 $0x2, s10;
	_ =	swait.ge [sflag:s8], $0x8000  }
0x11: {  	s31 =	sshrl.u32 s10, $0x1;
	s11 =	sshll.u32 s11, $0x4;
	[sflag:s8] =	ssyncset.done $0x0  }
0x12: {  	s9 =	sadd.s32 s11, s9;
	s11 =	ssub.s32 s10, s31;
	[sflag:s8] =	ssyncadd.s32 $0xFFFF8000  }
0x13: {  	s11 =	smax.u32 s11, $0x1;
	_ =	strace $0x9000004A  }
0x14: {  	s9 =	sadd.s32 $0x40C00, s9;
	p0 =	sne.s32 s11, $0x1;
	_ =	strace $0x8000004B  }
0x15: {  	[hbm4b:s9+s2] =	stream.linear.scatter [tilespmem:s7], [sflag:$0x3], $0x8000, $0x200038;
	[tilespmem:$0x10200] =	vst v63  }
.Ltmp0:
0x16: {  	_ =	strace $0x9000004B;
	(pc) =	sbr.rel @!p0 .LBB2_2-.Ltmp0, $4  }
0x17: {  	s10 =	simm.s32 $0x3;
	_ =	strace $0x8000004C  }
0x18: {  	_ =	swait.ge [sflag:s10], $0x8000  }
0x19: {  	[sflag:s10] =	ssyncset.done $0x0  }
0x1a: {  	s11 =	sadd.s32 $0xFFFFFFFF, s11;
	[sflag:s10] =	ssyncadd.s32 $0xFFFF8000  }
.LBB2_1:
0x1b: {  	p0 =	sne.s32 s11, $0x1;
	s11 =	sadd.s32 $0xFFFFFFFF, s11;
	_ =	strace $0x9000004C  }
0x1c: {  	_ =	strace $0x80000048  }
0x1d: {  	[tilespmem:s2], [sflag:$0x1] =	stream.linear.gather [hbm4b:s3+s2], $0x100, $0x200038;
	[tilespmem:$0x10200] =	vst v63  }
0x1e: {  	_ =	strace $0x90000048  }
0x1f: {  	_ =	strace $0x80000049  }
0x20: {  	_ =	swait.ge [sflag:s4], $0x100  }
0x21: {  	[sflag:s4] =	ssyncset.done $0x0  }
0x22: {  	[sflag:s4] =	ssyncadd.s32 $0xFFFFFF00  }
0x23: {  	_ =	strace $0x90000049  }
0x24: {  	_ =	strace $0x8000004A  }
0x25: {  	[tilespmem:s7], [sflag:$0x5] =	stream.indirect.gather [hbm4b:s5+s6], $0x80, s2, s6, $0x2000b8;
	[tilespmem:$0x10200] =	vst v63  }
0x26: {  	_ =	swait.ge [sflag:s8], $0x8000  }
0x27: {  	[sflag:s8] =	ssyncset.done $0x0  }
0x28: {  	[sflag:s8] =	ssyncadd.s32 $0xFFFF8000  }
0x29: {  	_ =	strace $0x9000004A  }
0x2a: {  	_ =	strace $0x8000004B  }
0x2b: {  	[hbm4b:s9+s2] =	stream.linear.scatter [tilespmem:s7], [sflag:$0x3], $0x8000, $0x200038;
	[tilespmem:$0x10200] =	vst v63  }
.Ltmp1:
0x2c: {  	_ =	strace $0x9000004B;
	(pc) =	sbr.rel @p0 .LBB2_1-.Ltmp1, $4  }
0x2d: {  	_ =	strace $0x8000004C  }
0x2e: {  	_ =	swait.ge [sflag:s10], $0x8000  }
0x2f: {  	[sflag:s10] =	ssyncset.done $0x0  }
0x30: {  	[sflag:s10] =	ssyncadd.s32 $0xFFFF8000  }
.LBB2_2:
0x31: {  	_ =	strace $0x9000004C  }
0x32: {  	_ =	sfence.sel $0x180000  }
0x33: {  	[bflag:$0x0] =	sbarrier.arrive $0xFFFF  }
0x34: {  	p0 =	sne.s32 s1, $0x0;
	_ =	strace $0x90000047  }
0x35: {  	s0 =	sadd.s32 @!p0 $0x100000, s0;
	[bflag:$0x2] =	sbarrier.arrive $0xFFFF  }
0x36: {  	[sflag:s0] =	ssyncadd.tile.s32 @!p0 $0x1;
	_ =	shalt  }
.Lfunc_end2:
_tile_overlayer_lowered:
.L_overlay_start_2:
0x37: {  	(tag) =	ssettag $0x2  }
0x38: {  	s0 =	rddreg [dreg:$0x0];
	s2 =	stileid.u32  }
0x39: {  	s1 =	rddreg [dreg:$0x1];
	p0 =	sne.s32 s2, $0x0  }
0x3a: {  	s3 =	rddreg [dreg:$0x2];
	[bflag:$0x3] =	sbarrier.arrive $0xFFFF;
	s2 =	simm.s32 @!p0 $0x1C01  }
0x3b: {  	[timem:s3], [sflag:s2] =	dma.local @!p0 [hbm:s0], s1  }
0x3c: {  	s0 =	simm.s32 @!p0 $0x1  }
0x3d: {  	_ =	swait.ge @!p0 [sflag:s0], s1  }
0x3e: {  	s1 =	ssub.s32 @!p0 $0x0, s1;
	[sflag:s0] =	ssyncset.done @!p0 $0x0  }
0x3f: {  	[sflag:s0] =	ssyncadd.s32 @!p0 s1  }
0x40: {  	[bflag:$0x3] =	sbarrier.arrive $0xFFFF  }
0x41: {  	_ =	shalt  }

</sc_bundles>
